<compile_context>
chip_gen: v7x
topology: tpu7x:2x2x1
jax: 0.10.2.dev20260603
libtpu: 0.0.44.dev20260713+nightly
codegen_flags: <defaults>
</compile_context>

<pallas_src>
import jax
import jax.numpy as jnp
from jax.experimental import pallas as pl
from jax.experimental.pallas import tpu as pltpu

EPS = 1e-06
FEAT_TOTAL = 784 + 1152 + 2304 + 4056
LANES = 256

CONFIGS = (
    (8, 4),
    (9, 3),
    (6, 2),
)


def _pool_axis0(v, cell, hc):
    n = v.shape[0]
    main = n - n % cell
    ngroups = main // cell
    r = v[:main].reshape((ngroups,) + (cell,) + v.shape[1:])
    pooled = r[:, 0]
    for k in range(1, cell):
        pooled = pooled + r[:, k]
    if n % cell:
        extra = v[main:].sum(axis=0, keepdims=True)
        pooled = jnp.concatenate(
            [pooled[:hc - 1], pooled[hc - 1:] + extra], axis=0)
    return pooled


def _pool_axis1(v, cell, wc):
    n = v.shape[1]
    acc = v
    for k in range(1, cell):
        acc = acc + jnp.roll(v, -k, axis=1)
    rem = n - cell * wc
    if rem:
        col = jax.lax.broadcasted_iota(jnp.int32, v.shape, 1)
        last = cell * (wc - 1)
        for r in range(rem):
            acc = acc + jnp.where(col == last,
                                  jnp.roll(v, -(cell + r), axis=1),
                                  jnp.zeros_like(v))
    r = acc[:, :cell * wc].reshape(
        (v.shape[0], wc, cell) + v.shape[2:])
    return r[:, :, 0]


QSCALE = 1446.0

ATAN_COEFS = (0.31830986160216357, -0.1060997911632204, 0.06357929556780634,
              -0.044715514383939337, 0.031837705450134465,
              -0.0193764354304333, 0.008062904867075355,
              -0.0015981172560503509)


def _hog_block(mag_s, u, bins, cell):
    hc = 28 // cell
    wc = hc
    nh = (bins + 1) // 2
    z = u * float(bins)
    b0 = jnp.clip(jnp.floor(z), 0.0, bins - 1.0)
    t = mag_s * (z - b0)
    q0 = jnp.round(mag_s - t).astype(jnp.int32)
    q1 = jnp.round(t).astype(jnp.int32)
    ge0 = b0 >= float(nh)
    p0 = jnp.where(ge0, b0 - float(nh), b0)
    sq0 = jnp.where(ge0, q0 * 65536, q0)
    ge1 = jnp.logical_and(b0 >= float(nh - 1), b0 < float(bins - 1))
    sq1 = jnp.where(ge1, q1 * 65536, q1)
    cs = []
    if bins % 2 == 0:
        m_first = p0 == float(nh - 1)
        m_prev = m_first
        for p in range(nh):
            m_cur = m_first if p == nh - 1 else (p0 == float(p))
            c = jnp.where(m_cur, sq0, jnp.where(m_prev, sq1, 0))
            c = _pool_axis0(c, cell, hc)
            cs.append(_pool_axis1(c, cell, wc))
            m_prev = m_cur
    else:
        b1 = jnp.where(b0 == float(bins - 1), 0.0, b0 + 1.0)
        p1 = jnp.where(b1 >= float(nh), b1 - float(nh), b1)
        for p in range(nh):
            c = jnp.where(p0 == float(p), sq0,
                          jnp.where(p1 == float(p), sq1, 0))
            c = _pool_axis0(c, cell, hc)
            cs.append(_pool_axis1(c, cell, wc))
    hp = jnp.stack(cs, axis=2)
    lo = (hp & 0xFFFF).astype(jnp.float32) * (1.0 / QSCALE)
    hi = (hp >> 16).astype(jnp.float32) * (1.0 / QSCALE)
    if bins % 2:
        hi = hi[:, :, :bins - nh, :]
    h = jnp.concatenate([lo, hi], axis=2)
    ssc = jnp.sum(h * h, axis=2, keepdims=True)
    ss = ssc[:-1, :-1] + ssc[:-1, 1:] + ssc[1:, :-1] + ssc[1:, 1:]
    cb = jnp.concatenate(
        [h[:-1, :-1], h[:-1, 1:], h[1:, :-1], h[1:, 1:]], axis=2
    )
    cb = jnp.minimum(cb * jax.lax.rsqrt(ss + 1e-06), 0.2)
    ss2 = jnp.sum(cb * cb, axis=2, keepdims=True)
    cb = cb * jax.lax.rsqrt(ss2 + 1e-06)
    return cb.reshape((hc - 1) * (wc - 1) * 4 * bins, LANES)


def _body(xp_ref, out_ref):
    xp = xp_ref[...]
    xl = xp[:, 0:28, :]
    xm = xp[:, 1:29, :]
    xr = xp[:, 2:30, :]
    left = xl[0:28] + 2.0 * xl[1:29] + xl[2:30]
    right = xr[0:28] + 2.0 * xr[1:29] + xr[2:30]
    top = xl[0:28] + 2.0 * xm[0:28] + xr[0:28]
    bot = xl[2:30] + 2.0 * xm[2:30] + xr[2:30]
    a = left - right
    b = top - bot
    mag_s = (0.25 * QSCALE) * jnp.sqrt(a * a + b * b + EPS * 16.0)
    ax = jnp.abs(a)
    ab = jnp.abs(b)
    z = jnp.minimum(ax, ab) / jnp.maximum(ax, ab)
    w = z * z
    pol = ATAN_COEFS[-1]
    for coef in ATAN_COEFS[-2::-1]:
        pol = pol * w + coef
    t0 = z * pol
    u0 = jnp.where(ab > ax, 0.5 - t0, t0)
    u = jnp.where((a < 0.0) != (b < 0.0), 1.0 - u0, u0)

    parts = [xp[1:29, 1:29, :].reshape(784, LANES)]
    for bins, cell in CONFIGS:
        parts.append(_hog_block(mag_s, u, bins, cell))
    feat = jnp.concatenate(parts, axis=0)
    out_ref[...] = feat.T


def kernel(x, feat_mean, feat_std):
    b = x.shape[0]
    x32 = x.astype(jnp.float32).reshape(b, 28, 28)
    xt = jnp.transpose(x32, (1, 2, 0))
    xp = jnp.pad(xt, ((1, 1), (1, 1), (0, 0)))
    grid = b // LANES
    out = pl.pallas_call(
        _body,
        grid=(grid,),
        in_specs=[
            pl.BlockSpec((30, 30, LANES), lambda i: (0, 0, i)),
        ],
        out_specs=pl.BlockSpec((LANES, FEAT_TOTAL), lambda i: (i, 0)),
        out_shape=jax.ShapeDtypeStruct((b, FEAT_TOTAL), jnp.float32),
        compiler_params=pltpu.CompilerParams(
            dimension_semantics=("parallel",)),
    )(xp)
    return out

# --- scband reference (transcript-rebuilt; emitter-appended) ---
"""Pipeline reference for scband-torch-hogmulti-1700807049340 (READ-ONLY COPY).

The authoritative reference and input builder live on the scoring server;
editing this copy changes nothing except your own understanding.
"""

import math
import jax, jax.numpy as jnp
import numpy as np

KX = np.array([[1, 0, -1], [2, 0, -2], [1, 0, -1]], dtype=np.float32)
KY = np.array([[1, 2, 1], [0, 0, 0], [-1, -2, -1]], dtype=np.float32)
EPS = 1e-06
FEAT_DIM = 784 + 1152 + 2304 + 4056


def setup_inputs(seed: int = 0) -> dict:
    key = jax.random.key(seed)
    x = jax.random.uniform(key, (16384, 1, 28, 28), dtype=jnp.float32)
    feat_mean = jnp.zeros((FEAT_DIM,), dtype=jnp.float32)
    feat_std = jnp.ones((FEAT_DIM,), dtype=jnp.float32)
    return {"x": x, "feat_mean": feat_mean, "feat_std": feat_std}


def _sobel(x):
    # zero-pad then 3x3 cross-correlation with KX/KY, scaled by 1/4
    pad = jnp.pad(x, ((0, 0), (0, 0), (1, 1), (1, 1)))
    H, W = x.shape[2], x.shape[3]
    gx = jnp.zeros_like(x)
    gy = jnp.zeros_like(x)
    for i in range(3):
        for j in range(3):
            win = pad[:, :, i:i + H, j:j + W]
            if KX[i, j] != 0.0:
                gx = gx + float(KX[i, j]) * win
            if KY[i, j] != 0.0:
                gy = gy + float(KY[i, j]) * win
    return gx * 0.25, gy * 0.25


def _hog_generic(gx, gy, bins, cell):
    mag = jnp.sqrt(gx * gx + gy * gy + EPS)
    ang = jnp.arctan2(gy, gx) * (180.0 / math.pi)
    ang = (ang + 180.0) % 180.0
    B, _, H, W = mag.shape
    Hc, Wc = H // cell, W // cell
    yy = jnp.arange(H)[:, None]
    xx = jnp.arange(W)[None, :]
    cy = jnp.clip(yy // cell, 0, Hc - 1)
    cx = jnp.clip(xx // cell, 0, Wc - 1)
    cell_id = (cy * Wc + cx).astype(jnp.int32)  # (H, W)
    bin_w = 180.0 / bins
    b0 = jnp.clip(jnp.floor(ang / bin_w), 0, bins - 1).astype(jnp.int32)
    frac = (ang - b0.astype(ang.dtype) * bin_w) / bin_w
    b1i = (b0 + 1) % bins
    base = jnp.arange(B, dtype=jnp.int32)[:, None, None, None] * (Hc * Wc)
    dest = (base + cell_id[None, None, :, :]).reshape(-1)
    m = mag.reshape(-1)
    f = frac.reshape(-1)
    b0f = b0.reshape(-1)
    b1f = b1i.reshape(-1)
    hist_1d = jnp.zeros((B * Hc * Wc * bins,), dtype=mag.dtype)
    hist_1d = hist_1d.at[dest * bins + b0f].add(m * (1.0 - f))
    hist_1d = hist_1d.at[dest * bins + b1f].add(m * f)
    hist = hist_1d.reshape(B, Hc, Wc, bins)
    bl1 = hist[:, :-1, :-1, :]
    bl2 = hist[:, :-1, 1:, :]
    bl3 = hist[:, 1:, :-1, :]
    bl4 = hist[:, 1:, 1:, :]
    blocks = jnp.stack([bl1, bl2, bl3, bl4], axis=-2).reshape(B, Hc - 1, Wc - 1, 4 * bins)
    norm = jnp.sqrt(jnp.sum(blocks * blocks, axis=-1, keepdims=True) + 1e-06)
    blocks = jnp.minimum(blocks / norm, 0.2)
    norm2 = jnp.sqrt(jnp.sum(blocks * blocks, axis=-1, keepdims=True) + 1e-06)
    blocks = blocks / norm2
    return blocks.reshape(B, -1)


def reference(x, feat_mean, feat_std):
    x = x.astype(jnp.float32)
    gx, gy = _sobel(x)
    hog8_c4 = _hog_generic(gx, gy, bins=8, cell=4)
    hog9_c3 = _hog_generic(gx, gy, bins=9, cell=3)
    hog6_c2 = _hog_generic(gx, gy, bins=6, cell=2)
    flat = x.reshape(x.shape[0], -1)
    feat = jnp.concatenate([flat, hog8_c4, hog9_c3, hog6_c2], axis=1)
    feat = (feat - feat_mean) / feat_std
    return feat

if __name__ == "__main__":
    import jax
    _d = setup_inputs()
    print(jax.jit(kernel)(*tuple(_d.values())))

</pallas_src>

<mosaic_0001>
module attributes {stable_mosaic.version = 14 : i64} {
  func.func @_body(%arg0: i32, %arg1: memref<30x30x256xf32, #tpu.memory_space<vmem>>, %arg2: memref<256x8296xf32, #tpu.memory_space<vmem>>) attributes {dimension_semantics = [#tpu.dimension_semantics<parallel>], iteration_bounds = array<i64: 64>, scalar_prefetch = 0 : i64, scratch_operands = 0 : i64, tpu.core_type = #tpu.core_type<tc>, window_params = [{transform_indices = @transform_0, window_bounds = array<i64: 30, 30, 256>}, {transform_indices = @transform_1, window_bounds = array<i64: 256, 8296>}]} {
    %get3A = arith.constant 0 : index
    %get3A_0 = arith.constant 0 : index
    %get3A_1 = arith.constant 0 : index
    %get3A_2 = vector.load %arg1[%get3A, %get3A_0, %get3A_1] : memref<30x30x256xf32, #tpu.memory_space<vmem>>, vector<30x30x256xf32>
    %slice3A = vector.extract_strided_slice %get3A_2 {offsets = [0, 0, 0], sizes = [30, 28, 256], strides = [1, 1, 1]} : vector<30x30x256xf32> to vector<30x28x256xf32>
    %slice3A_3 = vector.extract_strided_slice %get3A_2 {offsets = [0, 1, 0], sizes = [30, 28, 256], strides = [1, 1, 1]} : vector<30x30x256xf32> to vector<30x28x256xf32>
    %slice3A_4 = vector.extract_strided_slice %get3A_2 {offsets = [0, 2, 0], sizes = [30, 28, 256], strides = [1, 1, 1]} : vector<30x30x256xf32> to vector<30x28x256xf32>
    %slice3A_5 = vector.extract_strided_slice %slice3A {offsets = [0, 0, 0], sizes = [28, 28, 256], strides = [1, 1, 1]} : vector<30x28x256xf32> to vector<28x28x256xf32>
    %slice3A_6 = vector.extract_strided_slice %slice3A {offsets = [1, 0, 0], sizes = [28, 28, 256], strides = [1, 1, 1]} : vector<30x28x256xf32> to vector<28x28x256xf32>
    %mul3A = arith.constant 2.000000e+00 : f32
    %mul3A_7 = vector.broadcast %mul3A : f32 to vector<28x28x256xf32>
    %mul3A_8 = arith.mulf %mul3A_7, %slice3A_6 : vector<28x28x256xf32>
    %add3A = arith.addf %slice3A_5, %mul3A_8 : vector<28x28x256xf32>
    %slice3A_9 = vector.extract_strided_slice %slice3A {offsets = [2, 0, 0], sizes = [28, 28, 256], strides = [1, 1, 1]} : vector<30x28x256xf32> to vector<28x28x256xf32>
    %add3A_10 = arith.addf %add3A, %slice3A_9 : vector<28x28x256xf32>
    %slice3A_11 = vector.extract_strided_slice %slice3A_4 {offsets = [0, 0, 0], sizes = [28, 28, 256], strides = [1, 1, 1]} : vector<30x28x256xf32> to vector<28x28x256xf32>
    %slice3A_12 = vector.extract_strided_slice %slice3A_4 {offsets = [1, 0, 0], sizes = [28, 28, 256], strides = [1, 1, 1]} : vector<30x28x256xf32> to vector<28x28x256xf32>
    %mul3A_13 = arith.constant 2.000000e+00 : f32
    %mul3A_14 = vector.broadcast %mul3A_13 : f32 to vector<28x28x256xf32>
    %mul3A_15 = arith.mulf %mul3A_14, %slice3A_12 : vector<28x28x256xf32>
    %add3A_16 = arith.addf %slice3A_11, %mul3A_15 : vector<28x28x256xf32>
    %slice3A_17 = vector.extract_strided_slice %slice3A_4 {offsets = [2, 0, 0], sizes = [28, 28, 256], strides = [1, 1, 1]} : vector<30x28x256xf32> to vector<28x28x256xf32>
    %add3A_18 = arith.addf %add3A_16, %slice3A_17 : vector<28x28x256xf32>
    %slice3A_19 = vector.extract_strided_slice %slice3A {offsets = [0, 0, 0], sizes = [28, 28, 256], strides = [1, 1, 1]} : vector<30x28x256xf32> to vector<28x28x256xf32>
    %slice3A_20 = vector.extract_strided_slice %slice3A_3 {offsets = [0, 0, 0], sizes = [28, 28, 256], strides = [1, 1, 1]} : vector<30x28x256xf32> to vector<28x28x256xf32>
    %mul3A_21 = arith.constant 2.000000e+00 : f32
    %mul3A_22 = vector.broadcast %mul3A_21 : f32 to vector<28x28x256xf32>
    %mul3A_23 = arith.mulf %mul3A_22, %slice3A_20 : vector<28x28x256xf32>
    %add3A_24 = arith.addf %slice3A_19, %mul3A_23 : vector<28x28x256xf32>
    %slice3A_25 = vector.extract_strided_slice %slice3A_4 {offsets = [0, 0, 0], sizes = [28, 28, 256], strides = [1, 1, 1]} : vector<30x28x256xf32> to vector<28x28x256xf32>
    %add3A_26 = arith.addf %add3A_24, %slice3A_25 : vector<28x28x256xf32>
    %slice3A_27 = vector.extract_strided_slice %slice3A {offsets = [2, 0, 0], sizes = [28, 28, 256], strides = [1, 1, 1]} : vector<30x28x256xf32> to vector<28x28x256xf32>
    %slice3A_28 = vector.extract_strided_slice %slice3A_3 {offsets = [2, 0, 0], sizes = [28, 28, 256], strides = [1, 1, 1]} : vector<30x28x256xf32> to vector<28x28x256xf32>
    %mul3A_29 = arith.constant 2.000000e+00 : f32
    %mul3A_30 = vector.broadcast %mul3A_29 : f32 to vector<28x28x256xf32>
    %mul3A_31 = arith.mulf %mul3A_30, %slice3A_28 : vector<28x28x256xf32>
    %add3A_32 = arith.addf %slice3A_27, %mul3A_31 : vector<28x28x256xf32>
    %slice3A_33 = vector.extract_strided_slice %slice3A_4 {offsets = [2, 0, 0], sizes = [28, 28, 256], strides = [1, 1, 1]} : vector<30x28x256xf32> to vector<28x28x256xf32>
    %add3A_34 = arith.addf %add3A_32, %slice3A_33 : vector<28x28x256xf32>
    %sub3A = arith.subf %add3A_10, %add3A_18 : vector<28x28x256xf32>
    %sub3A_35 = arith.subf %add3A_26, %add3A_34 : vector<28x28x256xf32>
    %mul3A_36 = arith.mulf %sub3A, %sub3A : vector<28x28x256xf32>
    %mul3A_37 = arith.mulf %sub3A_35, %sub3A_35 : vector<28x28x256xf32>
    %add3A_38 = arith.addf %mul3A_36, %mul3A_37 : vector<28x28x256xf32>
    %add3A_39 = arith.constant 1.600000e-05 : f32
    %add3A_40 = vector.broadcast %add3A_39 : f32 to vector<28x28x256xf32>
    %add3A_41 = arith.addf %add3A_38, %add3A_40 : vector<28x28x256xf32>
    %sqrt3A = math.sqrt %add3A_41 : vector<28x28x256xf32>
    %mul3A_42 = arith.constant 3.615000e+02 : f32
    %mul3A_43 = vector.broadcast %mul3A_42 : f32 to vector<28x28x256xf32>
    %mul3A_44 = arith.mulf %mul3A_43, %sqrt3A : vector<28x28x256xf32>
    %abs3A = math.absf %sub3A : vector<28x28x256xf32>
    %abs3A_45 = math.absf %sub3A_35 : vector<28x28x256xf32>
    %min3A = arith.minimumf %abs3A, %abs3A_45 : vector<28x28x256xf32>
    %max3A = arith.maximumf %abs3A, %abs3A_45 : vector<28x28x256xf32>
    %div3A = arith.divf %min3A, %max3A : vector<28x28x256xf32>
    %mul3A_46 = arith.mulf %div3A, %div3A : vector<28x28x256xf32>
    %mul3A_47 = arith.constant -0.00159811729 : f32
    %mul3A_48 = vector.broadcast %mul3A_47 : f32 to vector<28x28x256xf32>
    %mul3A_49 = arith.mulf %mul3A_48, %mul3A_46 : vector<28x28x256xf32>
    %add3A_50 = arith.constant 0.0080629047 : f32
    %add3A_51 = vector.broadcast %add3A_50 : f32 to vector<28x28x256xf32>
    %add3A_52 = arith.addf %mul3A_49, %add3A_51 : vector<28x28x256xf32>
    %mul3A_53 = arith.mulf %add3A_52, %mul3A_46 : vector<28x28x256xf32>
    %add3A_54 = arith.constant -0.0193764362 : f32
    %add3A_55 = vector.broadcast %add3A_54 : f32 to vector<28x28x256xf32>
    %add3A_56 = arith.addf %mul3A_53, %add3A_55 : vector<28x28x256xf32>
    %mul3A_57 = arith.mulf %add3A_56, %mul3A_46 : vector<28x28x256xf32>
    %add3A_58 = arith.constant 0.0318377055 : f32
    %add3A_59 = vector.broadcast %add3A_58 : f32 to vector<28x28x256xf32>
    %add3A_60 = arith.addf %mul3A_57, %add3A_59 : vector<28x28x256xf32>
    %mul3A_61 = arith.mulf %add3A_60, %mul3A_46 : vector<28x28x256xf32>
    %add3A_62 = arith.constant -0.0447155125 : f32
    %add3A_63 = vector.broadcast %add3A_62 : f32 to vector<28x28x256xf32>
    %add3A_64 = arith.addf %mul3A_61, %add3A_63 : vector<28x28x256xf32>
    %mul3A_65 = arith.mulf %add3A_64, %mul3A_46 : vector<28x28x256xf32>
    %add3A_66 = arith.constant 6.357930e-02 : f32
    %add3A_67 = vector.broadcast %add3A_66 : f32 to vector<28x28x256xf32>
    %add3A_68 = arith.addf %mul3A_65, %add3A_67 : vector<28x28x256xf32>
    %mul3A_69 = arith.mulf %add3A_68, %mul3A_46 : vector<28x28x256xf32>
    %add3A_70 = arith.constant -0.106099792 : f32
    %add3A_71 = vector.broadcast %add3A_70 : f32 to vector<28x28x256xf32>
    %add3A_72 = arith.addf %mul3A_69, %add3A_71 : vector<28x28x256xf32>
    %mul3A_73 = arith.mulf %add3A_72, %mul3A_46 : vector<28x28x256xf32>
    %add3A_74 = arith.constant 0.318309873 : f32
    %add3A_75 = vector.broadcast %add3A_74 : f32 to vector<28x28x256xf32>
    %add3A_76 = arith.addf %mul3A_73, %add3A_75 : vector<28x28x256xf32>
    %mul3A_77 = arith.mulf %div3A, %add3A_76 : vector<28x28x256xf32>
    %gt3A = arith.cmpf ogt, %abs3A_45, %abs3A : vector<28x28x256xf32>
    %sub3A_78 = arith.constant 5.000000e-01 : f32
    %sub3A_79 = vector.broadcast %sub3A_78 : f32 to vector<28x28x256xf32>
    %sub3A_80 = arith.subf %sub3A_79, %mul3A_77 : vector<28x28x256xf32>
    %select_n3A = arith.select %gt3A, %sub3A_80, %mul3A_77 : vector<28x28x256xi1>, vector<28x28x256xf32>
    %lt3A = arith.constant 0.000000e+00 : f32
    %lt3A_81 = vector.broadcast %lt3A : f32 to vector<28x28x256xf32>
    %lt3A_82 = arith.cmpf olt, %sub3A, %lt3A_81 : vector<28x28x256xf32>
    %lt3A_83 = arith.constant 0.000000e+00 : f32
    %lt3A_84 = vector.broadcast %lt3A_83 : f32 to vector<28x28x256xf32>
    %lt3A_85 = arith.cmpf olt, %sub3A_35, %lt3A_84 : vector<28x28x256xf32>
    %ne3A = arith.xori %lt3A_82, %lt3A_85 : vector<28x28x256xi1>
    %sub3A_86 = arith.constant 1.000000e+00 : f32
    %sub3A_87 = vector.broadcast %sub3A_86 : f32 to vector<28x28x256xf32>
    %sub3A_88 = arith.subf %sub3A_87, %select_n3A : vector<28x28x256xf32>
    %select_n3A_89 = arith.select %ne3A, %sub3A_88, %select_n3A : vector<28x28x256xi1>, vector<28x28x256xf32>
    %slice3A_90 = vector.extract_strided_slice %get3A_2 {offsets = [1, 1, 0], sizes = [28, 28, 256], strides = [1, 1, 1]} : vector<30x30x256xf32> to vector<28x28x256xf32>
    %reshape3A = vector.shape_cast %slice3A_90 : vector<28x28x256xf32> to vector<784x256xf32>
    %mul3A_91 = arith.constant 8.000000e+00 : f32
    %mul3A_92 = vector.broadcast %mul3A_91 : f32 to vector<28x28x256xf32>
    %mul3A_93 = arith.mulf %select_n3A_89, %mul3A_92 : vector<28x28x256xf32>
    %floor3A = math.floor %mul3A_93 : vector<28x28x256xf32>
    %jit3A = arith.constant 0.000000e+00 : f32
    %jit3A_94 = arith.constant 7.000000e+00 : f32
    %max3A_95 = vector.broadcast %jit3A : f32 to vector<28x28x256xf32>
    %max3A_96 = arith.maximumf %max3A_95, %floor3A : vector<28x28x256xf32>
    %min3A_97 = vector.broadcast %jit3A_94 : f32 to vector<28x28x256xf32>
    %min3A_98 = arith.minimumf %min3A_97, %max3A_96 : vector<28x28x256xf32>
    %sub3A_99 = arith.subf %mul3A_93, %min3A_98 : vector<28x28x256xf32>
    %mul3A_100 = arith.mulf %mul3A_44, %sub3A_99 : vector<28x28x256xf32>
    %sub3A_101 = arith.subf %mul3A_44, %mul3A_100 : vector<28x28x256xf32>
    %round3A = math.roundeven %sub3A_101 : vector<28x28x256xf32>
    %convert_element_type3A = arith.fptosi %round3A : vector<28x28x256xf32> to vector<28x28x256xi32>
    %round3A_102 = math.roundeven %mul3A_100 : vector<28x28x256xf32>
    %convert_element_type3A_103 = arith.fptosi %round3A_102 : vector<28x28x256xf32> to vector<28x28x256xi32>
    %ge3A = arith.constant 4.000000e+00 : f32
    %ge3A_104 = vector.broadcast %ge3A : f32 to vector<28x28x256xf32>
    %ge3A_105 = arith.cmpf oge, %min3A_98, %ge3A_104 : vector<28x28x256xf32>
    %sub3A_106 = arith.constant 4.000000e+00 : f32
    %sub3A_107 = vector.broadcast %sub3A_106 : f32 to vector<28x28x256xf32>
    %sub3A_108 = arith.subf %min3A_98, %sub3A_107 : vector<28x28x256xf32>
    %select_n3A_109 = arith.select %ge3A_105, %sub3A_108, %min3A_98 : vector<28x28x256xi1>, vector<28x28x256xf32>
    %mul3A_110 = arith.constant 65536 : i32
    %mul3A_111 = vector.broadcast %mul3A_110 : i32 to vector<28x28x256xi32>
    %mul3A_112 = arith.muli %convert_element_type3A, %mul3A_111 : vector<28x28x256xi32>
    %select_n3A_113 = arith.select %ge3A_105, %mul3A_112, %convert_element_type3A : vector<28x28x256xi1>, vector<28x28x256xi32>
    %ge3A_114 = arith.constant 3.000000e+00 : f32
    %ge3A_115 = vector.broadcast %ge3A_114 : f32 to vector<28x28x256xf32>
    %ge3A_116 = arith.cmpf oge, %min3A_98, %ge3A_115 : vector<28x28x256xf32>
    %lt3A_117 = arith.constant 7.000000e+00 : f32
    %lt3A_118 = vector.broadcast %lt3A_117 : f32 to vector<28x28x256xf32>
    %lt3A_119 = arith.cmpf olt, %min3A_98, %lt3A_118 : vector<28x28x256xf32>
    %and3A = arith.andi %ge3A_116, %lt3A_119 : vector<28x28x256xi1>
    %mul3A_120 = arith.constant 65536 : i32
    %mul3A_121 = vector.broadcast %mul3A_120 : i32 to vector<28x28x256xi32>
    %mul3A_122 = arith.muli %convert_element_type3A_103, %mul3A_121 : vector<28x28x256xi32>
    %select_n3A_123 = arith.select %and3A, %mul3A_122, %convert_element_type3A_103 : vector<28x28x256xi1>, vector<28x28x256xi32>
    %eq3A = arith.constant 3.000000e+00 : f32
    %eq3A_124 = vector.broadcast %eq3A : f32 to vector<28x28x256xf32>
    %eq3A_125 = arith.cmpf oeq, %select_n3A_109, %eq3A_124 : vector<28x28x256xf32>
    %eq3A_126 = arith.constant 0.000000e+00 : f32
    %eq3A_127 = vector.broadcast %eq3A_126 : f32 to vector<28x28x256xf32>
    %eq3A_128 = arith.cmpf oeq, %select_n3A_109, %eq3A_127 : vector<28x28x256xf32>
    %jit3A_129 = arith.constant 0 : i32
    %broadcast_in_dim3A = vector.broadcast %jit3A_129 : i32 to vector<28x28x256xi32>
    %select_n3A_130 = arith.select %eq3A_125, %select_n3A_123, %broadcast_in_dim3A : vector<28x28x256xi1>, vector<28x28x256xi32>
    %select_n3A_131 = arith.select %eq3A_128, %select_n3A_113, %select_n3A_130 : vector<28x28x256xi1>, vector<28x28x256xi32>
    %reshape3A_132 = vector.shape_cast %select_n3A_131 : vector<28x28x256xi32> to vector<7x4x28x256xi32>
    %slice3A_133 = vector.extract_strided_slice %reshape3A_132 {offsets = [0, 0, 0, 0], sizes = [7, 1, 28, 256], strides = [1, 1, 1, 1]} : vector<7x4x28x256xi32> to vector<7x1x28x256xi32>
    %squeeze3A = vector.shape_cast %slice3A_133 : vector<7x1x28x256xi32> to vector<7x28x256xi32>
    %slice3A_134 = vector.extract_strided_slice %reshape3A_132 {offsets = [0, 1, 0, 0], sizes = [7, 1, 28, 256], strides = [1, 1, 1, 1]} : vector<7x4x28x256xi32> to vector<7x1x28x256xi32>
    %squeeze3A_135 = vector.shape_cast %slice3A_134 : vector<7x1x28x256xi32> to vector<7x28x256xi32>
    %add3A_136 = arith.addi %squeeze3A, %squeeze3A_135 : vector<7x28x256xi32>
    %slice3A_137 = vector.extract_strided_slice %reshape3A_132 {offsets = [0, 2, 0, 0], sizes = [7, 1, 28, 256], strides = [1, 1, 1, 1]} : vector<7x4x28x256xi32> to vector<7x1x28x256xi32>
    %squeeze3A_138 = vector.shape_cast %slice3A_137 : vector<7x1x28x256xi32> to vector<7x28x256xi32>
    %add3A_139 = arith.addi %add3A_136, %squeeze3A_138 : vector<7x28x256xi32>
    %slice3A_140 = vector.extract_strided_slice %reshape3A_132 {offsets = [0, 3, 0, 0], sizes = [7, 1, 28, 256], strides = [1, 1, 1, 1]} : vector<7x4x28x256xi32> to vector<7x1x28x256xi32>
    %squeeze3A_141 = vector.shape_cast %slice3A_140 : vector<7x1x28x256xi32> to vector<7x28x256xi32>
    %add3A_142 = arith.addi %add3A_139, %squeeze3A_141 : vector<7x28x256xi32>
    %slice3A_143 = vector.extract_strided_slice %add3A_142 {offsets = [0, 1, 0], sizes = [7, 27, 256], strides = [1, 1, 1]} : vector<7x28x256xi32> to vector<7x27x256xi32>
    %slice3A_144 = vector.extract_strided_slice %add3A_142 {offsets = [0, 0, 0], sizes = [7, 1, 256], strides = [1, 1, 1]} : vector<7x28x256xi32> to vector<7x1x256xi32>
    %concatenate3A = tpu.concatenate %slice3A_143, %slice3A_144 in 1 : vector<7x27x256xi32>, vector<7x1x256xi32> -> vector<7x28x256xi32>
    %add3A_145 = arith.addi %add3A_142, %concatenate3A : vector<7x28x256xi32>
    %slice3A_146 = vector.extract_strided_slice %add3A_142 {offsets = [0, 2, 0], sizes = [7, 26, 256], strides = [1, 1, 1]} : vector<7x28x256xi32> to vector<7x26x256xi32>
    %slice3A_147 = vector.extract_strided_slice %add3A_142 {offsets = [0, 0, 0], sizes = [7, 2, 256], strides = [1, 1, 1]} : vector<7x28x256xi32> to vector<7x2x256xi32>
    %concatenate3A_148 = tpu.concatenate %slice3A_146, %slice3A_147 in 1 : vector<7x26x256xi32>, vector<7x2x256xi32> -> vector<7x28x256xi32>
    %add3A_149 = arith.addi %add3A_145, %concatenate3A_148 : vector<7x28x256xi32>
    %slice3A_150 = vector.extract_strided_slice %add3A_142 {offsets = [0, 3, 0], sizes = [7, 25, 256], strides = [1, 1, 1]} : vector<7x28x256xi32> to vector<7x25x256xi32>
    %slice3A_151 = vector.extract_strided_slice %add3A_142 {offsets = [0, 0, 0], sizes = [7, 3, 256], strides = [1, 1, 1]} : vector<7x28x256xi32> to vector<7x3x256xi32>
    %concatenate3A_152 = tpu.concatenate %slice3A_150, %slice3A_151 in 1 : vector<7x25x256xi32>, vector<7x3x256xi32> -> vector<7x28x256xi32>
    %add3A_153 = arith.addi %add3A_149, %concatenate3A_152 : vector<7x28x256xi32>
    %reshape3A_154 = vector.shape_cast %add3A_153 : vector<7x28x256xi32> to vector<7x7x4x256xi32>
    %slice3A_155 = vector.extract_strided_slice %reshape3A_154 {offsets = [0, 0, 0, 0], sizes = [7, 7, 1, 256], strides = [1, 1, 1, 1]} : vector<7x7x4x256xi32> to vector<7x7x1x256xi32>
    %squeeze3A_156 = vector.shape_cast %slice3A_155 : vector<7x7x1x256xi32> to vector<7x7x256xi32>
    %eq3A_157 = arith.constant 1.000000e+00 : f32
    %eq3A_158 = vector.broadcast %eq3A_157 : f32 to vector<28x28x256xf32>
    %eq3A_159 = arith.cmpf oeq, %select_n3A_109, %eq3A_158 : vector<28x28x256xf32>
    %jit3A_160 = arith.constant 0 : i32
    %broadcast_in_dim3A_161 = vector.broadcast %jit3A_160 : i32 to vector<28x28x256xi32>
    %select_n3A_162 = arith.select %eq3A_128, %select_n3A_123, %broadcast_in_dim3A_161 : vector<28x28x256xi1>, vector<28x28x256xi32>
    %select_n3A_163 = arith.select %eq3A_159, %select_n3A_113, %select_n3A_162 : vector<28x28x256xi1>, vector<28x28x256xi32>
    %reshape3A_164 = vector.shape_cast %select_n3A_163 : vector<28x28x256xi32> to vector<7x4x28x256xi32>
    %slice3A_165 = vector.extract_strided_slice %reshape3A_164 {offsets = [0, 0, 0, 0], sizes = [7, 1, 28, 256], strides = [1, 1, 1, 1]} : vector<7x4x28x256xi32> to vector<7x1x28x256xi32>
    %squeeze3A_166 = vector.shape_cast %slice3A_165 : vector<7x1x28x256xi32> to vector<7x28x256xi32>
    %slice3A_167 = vector.extract_strided_slice %reshape3A_164 {offsets = [0, 1, 0, 0], sizes = [7, 1, 28, 256], strides = [1, 1, 1, 1]} : vector<7x4x28x256xi32> to vector<7x1x28x256xi32>
    %squeeze3A_168 = vector.shape_cast %slice3A_167 : vector<7x1x28x256xi32> to vector<7x28x256xi32>
    %add3A_169 = arith.addi %squeeze3A_166, %squeeze3A_168 : vector<7x28x256xi32>
    %slice3A_170 = vector.extract_strided_slice %reshape3A_164 {offsets = [0, 2, 0, 0], sizes = [7, 1, 28, 256], strides = [1, 1, 1, 1]} : vector<7x4x28x256xi32> to vector<7x1x28x256xi32>
    %squeeze3A_171 = vector.shape_cast %slice3A_170 : vector<7x1x28x256xi32> to vector<7x28x256xi32>
    %add3A_172 = arith.addi %add3A_169, %squeeze3A_171 : vector<7x28x256xi32>
    %slice3A_173 = vector.extract_strided_slice %reshape3A_164 {offsets = [0, 3, 0, 0], sizes = [7, 1, 28, 256], strides = [1, 1, 1, 1]} : vector<7x4x28x256xi32> to vector<7x1x28x256xi32>
    %squeeze3A_174 = vector.shape_cast %slice3A_173 : vector<7x1x28x256xi32> to vector<7x28x256xi32>
    %add3A_175 = arith.addi %add3A_172, %squeeze3A_174 : vector<7x28x256xi32>
    %slice3A_176 = vector.extract_strided_slice %add3A_175 {offsets = [0, 1, 0], sizes = [7, 27, 256], strides = [1, 1, 1]} : vector<7x28x256xi32> to vector<7x27x256xi32>
    %slice3A_177 = vector.extract_strided_slice %add3A_175 {offsets = [0, 0, 0], sizes = [7, 1, 256], strides = [1, 1, 1]} : vector<7x28x256xi32> to vector<7x1x256xi32>
    %concatenate3A_178 = tpu.concatenate %slice3A_176, %slice3A_177 in 1 : vector<7x27x256xi32>, vector<7x1x256xi32> -> vector<7x28x256xi32>
    %add3A_179 = arith.addi %add3A_175, %concatenate3A_178 : vector<7x28x256xi32>
    %slice3A_180 = vector.extract_strided_slice %add3A_175 {offsets = [0, 2, 0], sizes = [7, 26, 256], strides = [1, 1, 1]} : vector<7x28x256xi32> to vector<7x26x256xi32>
    %slice3A_181 = vector.extract_strided_slice %add3A_175 {offsets = [0, 0, 0], sizes = [7, 2, 256], strides = [1, 1, 1]} : vector<7x28x256xi32> to vector<7x2x256xi32>
    %concatenate3A_182 = tpu.concatenate %slice3A_180, %slice3A_181 in 1 : vector<7x26x256xi32>, vector<7x2x256xi32> -> vector<7x28x256xi32>
    %add3A_183 = arith.addi %add3A_179, %concatenate3A_182 : vector<7x28x256xi32>
    %slice3A_184 = vector.extract_strided_slice %add3A_175 {offsets = [0, 3, 0], sizes = [7, 25, 256], strides = [1, 1, 1]} : vector<7x28x256xi32> to vector<7x25x256xi32>
    %slice3A_185 = vector.extract_strided_slice %add3A_175 {offsets = [0, 0, 0], sizes = [7, 3, 256], strides = [1, 1, 1]} : vector<7x28x256xi32> to vector<7x3x256xi32>
    %concatenate3A_186 = tpu.concatenate %slice3A_184, %slice3A_185 in 1 : vector<7x25x256xi32>, vector<7x3x256xi32> -> vector<7x28x256xi32>
    %add3A_187 = arith.addi %add3A_183, %concatenate3A_186 : vector<7x28x256xi32>
    %reshape3A_188 = vector.shape_cast %add3A_187 : vector<7x28x256xi32> to vector<7x7x4x256xi32>
    %slice3A_189 = vector.extract_strided_slice %reshape3A_188 {offsets = [0, 0, 0, 0], sizes = [7, 7, 1, 256], strides = [1, 1, 1, 1]} : vector<7x7x4x256xi32> to vector<7x7x1x256xi32>
    %squeeze3A_190 = vector.shape_cast %slice3A_189 : vector<7x7x1x256xi32> to vector<7x7x256xi32>
    %eq3A_191 = arith.constant 2.000000e+00 : f32
    %eq3A_192 = vector.broadcast %eq3A_191 : f32 to vector<28x28x256xf32>
    %eq3A_193 = arith.cmpf oeq, %select_n3A_109, %eq3A_192 : vector<28x28x256xf32>
    %jit3A_194 = arith.constant 0 : i32
    %broadcast_in_dim3A_195 = vector.broadcast %jit3A_194 : i32 to vector<28x28x256xi32>
    %select_n3A_196 = arith.select %eq3A_159, %select_n3A_123, %broadcast_in_dim3A_195 : vector<28x28x256xi1>, vector<28x28x256xi32>
    %select_n3A_197 = arith.select %eq3A_193, %select_n3A_113, %select_n3A_196 : vector<28x28x256xi1>, vector<28x28x256xi32>
    %reshape3A_198 = vector.shape_cast %select_n3A_197 : vector<28x28x256xi32> to vector<7x4x28x256xi32>
    %slice3A_199 = vector.extract_strided_slice %reshape3A_198 {offsets = [0, 0, 0, 0], sizes = [7, 1, 28, 256], strides = [1, 1, 1, 1]} : vector<7x4x28x256xi32> to vector<7x1x28x256xi32>
    %squeeze3A_200 = vector.shape_cast %slice3A_199 : vector<7x1x28x256xi32> to vector<7x28x256xi32>
    %slice3A_201 = vector.extract_strided_slice %reshape3A_198 {offsets = [0, 1, 0, 0], sizes = [7, 1, 28, 256], strides = [1, 1, 1, 1]} : vector<7x4x28x256xi32> to vector<7x1x28x256xi32>
    %squeeze3A_202 = vector.shape_cast %slice3A_201 : vector<7x1x28x256xi32> to vector<7x28x256xi32>
    %add3A_203 = arith.addi %squeeze3A_200, %squeeze3A_202 : vector<7x28x256xi32>
    %slice3A_204 = vector.extract_strided_slice %reshape3A_198 {offsets = [0, 2, 0, 0], sizes = [7, 1, 28, 256], strides = [1, 1, 1, 1]} : vector<7x4x28x256xi32> to vector<7x1x28x256xi32>
    %squeeze3A_205 = vector.shape_cast %slice3A_204 : vector<7x1x28x256xi32> to vector<7x28x256xi32>
    %add3A_206 = arith.addi %add3A_203, %squeeze3A_205 : vector<7x28x256xi32>
    %slice3A_207 = vector.extract_strided_slice %reshape3A_198 {offsets = [0, 3, 0, 0], sizes = [7, 1, 28, 256], strides = [1, 1, 1, 1]} : vector<7x4x28x256xi32> to vector<7x1x28x256xi32>
    %squeeze3A_208 = vector.shape_cast %slice3A_207 : vector<7x1x28x256xi32> to vector<7x28x256xi32>
    %add3A_209 = arith.addi %add3A_206, %squeeze3A_208 : vector<7x28x256xi32>
    %slice3A_210 = vector.extract_strided_slice %add3A_209 {offsets = [0, 1, 0], sizes = [7, 27, 256], strides = [1, 1, 1]} : vector<7x28x256xi32> to vector<7x27x256xi32>
    %slice3A_211 = vector.extract_strided_slice %add3A_209 {offsets = [0, 0, 0], sizes = [7, 1, 256], strides = [1, 1, 1]} : vector<7x28x256xi32> to vector<7x1x256xi32>
    %concatenate3A_212 = tpu.concatenate %slice3A_210, %slice3A_211 in 1 : vector<7x27x256xi32>, vector<7x1x256xi32> -> vector<7x28x256xi32>
    %add3A_213 = arith.addi %add3A_209, %concatenate3A_212 : vector<7x28x256xi32>
    %slice3A_214 = vector.extract_strided_slice %add3A_209 {offsets = [0, 2, 0], sizes = [7, 26, 256], strides = [1, 1, 1]} : vector<7x28x256xi32> to vector<7x26x256xi32>
    %slice3A_215 = vector.extract_strided_slice %add3A_209 {offsets = [0, 0, 0], sizes = [7, 2, 256], strides = [1, 1, 1]} : vector<7x28x256xi32> to vector<7x2x256xi32>
    %concatenate3A_216 = tpu.concatenate %slice3A_214, %slice3A_215 in 1 : vector<7x26x256xi32>, vector<7x2x256xi32> -> vector<7x28x256xi32>
    %add3A_217 = arith.addi %add3A_213, %concatenate3A_216 : vector<7x28x256xi32>
    %slice3A_218 = vector.extract_strided_slice %add3A_209 {offsets = [0, 3, 0], sizes = [7, 25, 256], strides = [1, 1, 1]} : vector<7x28x256xi32> to vector<7x25x256xi32>
    %slice3A_219 = vector.extract_strided_slice %add3A_209 {offsets = [0, 0, 0], sizes = [7, 3, 256], strides = [1, 1, 1]} : vector<7x28x256xi32> to vector<7x3x256xi32>
    %concatenate3A_220 = tpu.concatenate %slice3A_218, %slice3A_219 in 1 : vector<7x25x256xi32>, vector<7x3x256xi32> -> vector<7x28x256xi32>
    %add3A_221 = arith.addi %add3A_217, %concatenate3A_220 : vector<7x28x256xi32>
    %reshape3A_222 = vector.shape_cast %add3A_221 : vector<7x28x256xi32> to vector<7x7x4x256xi32>
    %slice3A_223 = vector.extract_strided_slice %reshape3A_222 {offsets = [0, 0, 0, 0], sizes = [7, 7, 1, 256], strides = [1, 1, 1, 1]} : vector<7x7x4x256xi32> to vector<7x7x1x256xi32>
    %squeeze3A_224 = vector.shape_cast %slice3A_223 : vector<7x7x1x256xi32> to vector<7x7x256xi32>
    %jit3A_225 = arith.constant 0 : i32
    %broadcast_in_dim3A_226 = vector.broadcast %jit3A_225 : i32 to vector<28x28x256xi32>
    %select_n3A_227 = arith.select %eq3A_193, %select_n3A_123, %broadcast_in_dim3A_226 : vector<28x28x256xi1>, vector<28x28x256xi32>
    %select_n3A_228 = arith.select %eq3A_125, %select_n3A_113, %select_n3A_227 : vector<28x28x256xi1>, vector<28x28x256xi32>
    %reshape3A_229 = vector.shape_cast %select_n3A_228 : vector<28x28x256xi32> to vector<7x4x28x256xi32>
    %slice3A_230 = vector.extract_strided_slice %reshape3A_229 {offsets = [0, 0, 0, 0], sizes = [7, 1, 28, 256], strides = [1, 1, 1, 1]} : vector<7x4x28x256xi32> to vector<7x1x28x256xi32>
    %squeeze3A_231 = vector.shape_cast %slice3A_230 : vector<7x1x28x256xi32> to vector<7x28x256xi32>
    %slice3A_232 = vector.extract_strided_slice %reshape3A_229 {offsets = [0, 1, 0, 0], sizes = [7, 1, 28, 256], strides = [1, 1, 1, 1]} : vector<7x4x28x256xi32> to vector<7x1x28x256xi32>
    %squeeze3A_233 = vector.shape_cast %slice3A_232 : vector<7x1x28x256xi32> to vector<7x28x256xi32>
    %add3A_234 = arith.addi %squeeze3A_231, %squeeze3A_233 : vector<7x28x256xi32>
    %slice3A_235 = vector.extract_strided_slice %reshape3A_229 {offsets = [0, 2, 0, 0], sizes = [7, 1, 28, 256], strides = [1, 1, 1, 1]} : vector<7x4x28x256xi32> to vector<7x1x28x256xi32>
    %squeeze3A_236 = vector.shape_cast %slice3A_235 : vector<7x1x28x256xi32> to vector<7x28x256xi32>
    %add3A_237 = arith.addi %add3A_234, %squeeze3A_236 : vector<7x28x256xi32>
    %slice3A_238 = vector.extract_strided_slice %reshape3A_229 {offsets = [0, 3, 0, 0], sizes = [7, 1, 28, 256], strides = [1, 1, 1, 1]} : vector<7x4x28x256xi32> to vector<7x1x28x256xi32>
    %squeeze3A_239 = vector.shape_cast %slice3A_238 : vector<7x1x28x256xi32> to vector<7x28x256xi32>
    %add3A_240 = arith.addi %add3A_237, %squeeze3A_239 : vector<7x28x256xi32>
    %slice3A_241 = vector.extract_strided_slice %add3A_240 {offsets = [0, 1, 0], sizes = [7, 27, 256], strides = [1, 1, 1]} : vector<7x28x256xi32> to vector<7x27x256xi32>
    %slice3A_242 = vector.extract_strided_slice %add3A_240 {offsets = [0, 0, 0], sizes = [7, 1, 256], strides = [1, 1, 1]} : vector<7x28x256xi32> to vector<7x1x256xi32>
    %concatenate3A_243 = tpu.concatenate %slice3A_241, %slice3A_242 in 1 : vector<7x27x256xi32>, vector<7x1x256xi32> -> vector<7x28x256xi32>
    %add3A_244 = arith.addi %add3A_240, %concatenate3A_243 : vector<7x28x256xi32>
    %slice3A_245 = vector.extract_strided_slice %add3A_240 {offsets = [0, 2, 0], sizes = [7, 26, 256], strides = [1, 1, 1]} : vector<7x28x256xi32> to vector<7x26x256xi32>
    %slice3A_246 = vector.extract_strided_slice %add3A_240 {offsets = [0, 0, 0], sizes = [7, 2, 256], strides = [1, 1, 1]} : vector<7x28x256xi32> to vector<7x2x256xi32>
    %concatenate3A_247 = tpu.concatenate %slice3A_245, %slice3A_246 in 1 : vector<7x26x256xi32>, vector<7x2x256xi32> -> vector<7x28x256xi32>
    %add3A_248 = arith.addi %add3A_244, %concatenate3A_247 : vector<7x28x256xi32>
    %slice3A_249 = vector.extract_strided_slice %add3A_240 {offsets = [0, 3, 0], sizes = [7, 25, 256], strides = [1, 1, 1]} : vector<7x28x256xi32> to vector<7x25x256xi32>
    %slice3A_250 = vector.extract_strided_slice %add3A_240 {offsets = [0, 0, 0], sizes = [7, 3, 256], strides = [1, 1, 1]} : vector<7x28x256xi32> to vector<7x3x256xi32>
    %concatenate3A_251 = tpu.concatenate %slice3A_249, %slice3A_250 in 1 : vector<7x25x256xi32>, vector<7x3x256xi32> -> vector<7x28x256xi32>
    %add3A_252 = arith.addi %add3A_248, %concatenate3A_251 : vector<7x28x256xi32>
    %reshape3A_253 = vector.shape_cast %add3A_252 : vector<7x28x256xi32> to vector<7x7x4x256xi32>
    %slice3A_254 = vector.extract_strided_slice %reshape3A_253 {offsets = [0, 0, 0, 0], sizes = [7, 7, 1, 256], strides = [1, 1, 1, 1]} : vector<7x7x4x256xi32> to vector<7x7x1x256xi32>
    %squeeze3A_255 = vector.shape_cast %slice3A_254 : vector<7x7x1x256xi32> to vector<7x7x256xi32>
    %stack3A = vector.shape_cast %squeeze3A_156 : vector<7x7x256xi32> to vector<7x7x1x256xi32>
    %stack3A_256 = vector.shape_cast %squeeze3A_190 : vector<7x7x256xi32> to vector<7x7x1x256xi32>
    %stack3A_257 = vector.shape_cast %squeeze3A_224 : vector<7x7x256xi32> to vector<7x7x1x256xi32>
    %stack3A_258 = vector.shape_cast %squeeze3A_255 : vector<7x7x256xi32> to vector<7x7x1x256xi32>
    %stack3A_259 = tpu.concatenate %stack3A, %stack3A_256, %stack3A_257, %stack3A_258 in 2 : vector<7x7x1x256xi32>, vector<7x7x1x256xi32>, vector<7x7x1x256xi32>, vector<7x7x1x256xi32> -> vector<7x7x4x256xi32>
    %and3A_260 = arith.constant 65535 : i32
    %and3A_261 = vector.broadcast %and3A_260 : i32 to vector<7x7x4x256xi32>
    %and3A_262 = arith.andi %stack3A_259, %and3A_261 : vector<7x7x4x256xi32>
    %convert_element_type3A_263 = arith.sitofp %and3A_262 : vector<7x7x4x256xi32> to vector<7x7x4x256xf32>
    %mul3A_264 = arith.constant 6.91562949E-4 : f32
    %mul3A_265 = vector.broadcast %mul3A_264 : f32 to vector<7x7x4x256xf32>
    %mul3A_266 = arith.mulf %convert_element_type3A_263, %mul3A_265 : vector<7x7x4x256xf32>
    %shift_right_arithmetic3A = arith.constant 16 : i32
    %shift_right_arithmetic3A_267 = vector.broadcast %shift_right_arithmetic3A : i32 to vector<7x7x4x256xi32>
    %shift_right_arithmetic3A_268 = arith.shrsi %stack3A_259, %shift_right_arithmetic3A_267 : vector<7x7x4x256xi32>
    %convert_element_type3A_269 = arith.sitofp %shift_right_arithmetic3A_268 : vector<7x7x4x256xi32> to vector<7x7x4x256xf32>
    %mul3A_270 = arith.constant 6.91562949E-4 : f32
    %mul3A_271 = vector.broadcast %mul3A_270 : f32 to vector<7x7x4x256xf32>
    %mul3A_272 = arith.mulf %convert_element_type3A_269, %mul3A_271 : vector<7x7x4x256xf32>
    %concatenate3A_273 = tpu.concatenate %mul3A_266, %mul3A_272 in 2 : vector<7x7x4x256xf32>, vector<7x7x4x256xf32> -> vector<7x7x8x256xf32>
    %mul3A_274 = arith.mulf %concatenate3A_273, %concatenate3A_273 : vector<7x7x8x256xf32>
    %reduce_sum3A = arith.constant dense<0.000000e+00> : vector<7x7x256xf32>
    %reduce_sum3A_275 = vector.multi_reduction <add>, %mul3A_274, %reduce_sum3A [2] : vector<7x7x8x256xf32> to vector<7x7x256xf32>
    %broadcast_in_dim3A_276 = vector.shape_cast %reduce_sum3A_275 : vector<7x7x256xf32> to vector<7x7x1x256xf32>
    %slice3A_277 = vector.extract_strided_slice %broadcast_in_dim3A_276 {offsets = [0, 0, 0, 0], sizes = [6, 6, 1, 256], strides = [1, 1, 1, 1]} : vector<7x7x1x256xf32> to vector<6x6x1x256xf32>
    %slice3A_278 = vector.extract_strided_slice %broadcast_in_dim3A_276 {offsets = [0, 1, 0, 0], sizes = [6, 6, 1, 256], strides = [1, 1, 1, 1]} : vector<7x7x1x256xf32> to vector<6x6x1x256xf32>
    %add3A_279 = arith.addf %slice3A_277, %slice3A_278 : vector<6x6x1x256xf32>
    %slice3A_280 = vector.extract_strided_slice %broadcast_in_dim3A_276 {offsets = [1, 0, 0, 0], sizes = [6, 6, 1, 256], strides = [1, 1, 1, 1]} : vector<7x7x1x256xf32> to vector<6x6x1x256xf32>
    %add3A_281 = arith.addf %add3A_279, %slice3A_280 : vector<6x6x1x256xf32>
    %slice3A_282 = vector.extract_strided_slice %broadcast_in_dim3A_276 {offsets = [1, 1, 0, 0], sizes = [6, 6, 1, 256], strides = [1, 1, 1, 1]} : vector<7x7x1x256xf32> to vector<6x6x1x256xf32>
    %add3A_283 = arith.addf %add3A_281, %slice3A_282 : vector<6x6x1x256xf32>
    %slice3A_284 = vector.extract_strided_slice %concatenate3A_273 {offsets = [0, 0, 0, 0], sizes = [6, 6, 8, 256], strides = [1, 1, 1, 1]} : vector<7x7x8x256xf32> to vector<6x6x8x256xf32>
    %slice3A_285 = vector.extract_strided_slice %concatenate3A_273 {offsets = [0, 1, 0, 0], sizes = [6, 6, 8, 256], strides = [1, 1, 1, 1]} : vector<7x7x8x256xf32> to vector<6x6x8x256xf32>
    %slice3A_286 = vector.extract_strided_slice %concatenate3A_273 {offsets = [1, 0, 0, 0], sizes = [6, 6, 8, 256], strides = [1, 1, 1, 1]} : vector<7x7x8x256xf32> to vector<6x6x8x256xf32>
    %slice3A_287 = vector.extract_strided_slice %concatenate3A_273 {offsets = [1, 1, 0, 0], sizes = [6, 6, 8, 256], strides = [1, 1, 1, 1]} : vector<7x7x8x256xf32> to vector<6x6x8x256xf32>
    %concatenate3A_288 = tpu.concatenate %slice3A_284, %slice3A_285, %slice3A_286, %slice3A_287 in 2 : vector<6x6x8x256xf32>, vector<6x6x8x256xf32>, vector<6x6x8x256xf32>, vector<6x6x8x256xf32> -> vector<6x6x32x256xf32>
    %add3A_289 = arith.constant 9.99999997E-7 : f32
    %add3A_290 = vector.broadcast %add3A_289 : f32 to vector<6x6x1x256xf32>
    %add3A_291 = arith.addf %add3A_283, %add3A_290 : vector<6x6x1x256xf32>
    %rsqrt3A = math.rsqrt %add3A_291 : vector<6x6x1x256xf32>
    %mul3A_292 = vector.broadcast %rsqrt3A : vector<6x6x1x256xf32> to vector<6x6x32x256xf32>
    %mul3A_293 = arith.mulf %concatenate3A_288, %mul3A_292 : vector<6x6x32x256xf32>
    %min3A_294 = arith.constant 2.000000e-01 : f32
    %min3A_295 = vector.broadcast %min3A_294 : f32 to vector<6x6x32x256xf32>
    %min3A_296 = arith.minimumf %mul3A_293, %min3A_295 : vector<6x6x32x256xf32>
    %mul3A_297 = arith.mulf %min3A_296, %min3A_296 : vector<6x6x32x256xf32>
    %reduce_sum3A_298 = arith.constant dense<0.000000e+00> : vector<6x6x256xf32>
    %reduce_sum3A_299 = vector.multi_reduction <add>, %mul3A_297, %reduce_sum3A_298 [2] : vector<6x6x32x256xf32> to vector<6x6x256xf32>
    %broadcast_in_dim3A_300 = vector.shape_cast %reduce_sum3A_299 : vector<6x6x256xf32> to vector<6x6x1x256xf32>
    %add3A_301 = arith.constant 9.99999997E-7 : f32
    %add3A_302 = vector.broadcast %add3A_301 : f32 to vector<6x6x1x256xf32>
    %add3A_303 = arith.addf %broadcast_in_dim3A_300, %add3A_302 : vector<6x6x1x256xf32>
    %rsqrt3A_304 = math.rsqrt %add3A_303 : vector<6x6x1x256xf32>
    %mul3A_305 = vector.broadcast %rsqrt3A_304 : vector<6x6x1x256xf32> to vector<6x6x32x256xf32>
    %mul3A_306 = arith.mulf %min3A_296, %mul3A_305 : vector<6x6x32x256xf32>
    %reshape3A_307 = vector.shape_cast %mul3A_306 : vector<6x6x32x256xf32> to vector<1152x256xf32>
    %mul3A_308 = arith.constant 9.000000e+00 : f32
    %mul3A_309 = vector.broadcast %mul3A_308 : f32 to vector<28x28x256xf32>
    %mul3A_310 = arith.mulf %select_n3A_89, %mul3A_309 : vector<28x28x256xf32>
    %floor3A_311 = math.floor %mul3A_310 : vector<28x28x256xf32>
    %jit3A_312 = arith.constant 0.000000e+00 : f32
    %jit3A_313 = arith.constant 8.000000e+00 : f32
    %max3A_314 = vector.broadcast %jit3A_312 : f32 to vector<28x28x256xf32>
    %max3A_315 = arith.maximumf %max3A_314, %floor3A_311 : vector<28x28x256xf32>
    %min3A_316 = vector.broadcast %jit3A_313 : f32 to vector<28x28x256xf32>
    %min3A_317 = arith.minimumf %min3A_316, %max3A_315 : vector<28x28x256xf32>
    %sub3A_318 = arith.subf %mul3A_310, %min3A_317 : vector<28x28x256xf32>
    %mul3A_319 = arith.mulf %mul3A_44, %sub3A_318 : vector<28x28x256xf32>
    %sub3A_320 = arith.subf %mul3A_44, %mul3A_319 : vector<28x28x256xf32>
    %round3A_321 = math.roundeven %sub3A_320 : vector<28x28x256xf32>
    %convert_element_type3A_322 = arith.fptosi %round3A_321 : vector<28x28x256xf32> to vector<28x28x256xi32>
    %round3A_323 = math.roundeven %mul3A_319 : vector<28x28x256xf32>
    %convert_element_type3A_324 = arith.fptosi %round3A_323 : vector<28x28x256xf32> to vector<28x28x256xi32>
    %ge3A_325 = arith.constant 5.000000e+00 : f32
    %ge3A_326 = vector.broadcast %ge3A_325 : f32 to vector<28x28x256xf32>
    %ge3A_327 = arith.cmpf oge, %min3A_317, %ge3A_326 : vector<28x28x256xf32>
    %sub3A_328 = arith.constant 5.000000e+00 : f32
    %sub3A_329 = vector.broadcast %sub3A_328 : f32 to vector<28x28x256xf32>
    %sub3A_330 = arith.subf %min3A_317, %sub3A_329 : vector<28x28x256xf32>
    %select_n3A_331 = arith.select %ge3A_327, %sub3A_330, %min3A_317 : vector<28x28x256xi1>, vector<28x28x256xf32>
    %mul3A_332 = arith.constant 65536 : i32
    %mul3A_333 = vector.broadcast %mul3A_332 : i32 to vector<28x28x256xi32>
    %mul3A_334 = arith.muli %convert_element_type3A_322, %mul3A_333 : vector<28x28x256xi32>
    %select_n3A_335 = arith.select %ge3A_327, %mul3A_334, %convert_element_type3A_322 : vector<28x28x256xi1>, vector<28x28x256xi32>
    %ge3A_336 = arith.constant 4.000000e+00 : f32
    %ge3A_337 = vector.broadcast %ge3A_336 : f32 to vector<28x28x256xf32>
    %ge3A_338 = arith.cmpf oge, %min3A_317, %ge3A_337 : vector<28x28x256xf32>
    %lt3A_339 = arith.constant 8.000000e+00 : f32
    %lt3A_340 = vector.broadcast %lt3A_339 : f32 to vector<28x28x256xf32>
    %lt3A_341 = arith.cmpf olt, %min3A_317, %lt3A_340 : vector<28x28x256xf32>
    %and3A_342 = arith.andi %ge3A_338, %lt3A_341 : vector<28x28x256xi1>
    %mul3A_343 = arith.constant 65536 : i32
    %mul3A_344 = vector.broadcast %mul3A_343 : i32 to vector<28x28x256xi32>
    %mul3A_345 = arith.muli %convert_element_type3A_324, %mul3A_344 : vector<28x28x256xi32>
    %select_n3A_346 = arith.select %and3A_342, %mul3A_345, %convert_element_type3A_324 : vector<28x28x256xi1>, vector<28x28x256xi32>
    %eq3A_347 = arith.constant 8.000000e+00 : f32
    %eq3A_348 = vector.broadcast %eq3A_347 : f32 to vector<28x28x256xf32>
    %eq3A_349 = arith.cmpf oeq, %min3A_317, %eq3A_348 : vector<28x28x256xf32>
    %add3A_350 = arith.constant 1.000000e+00 : f32
    %add3A_351 = vector.broadcast %add3A_350 : f32 to vector<28x28x256xf32>
    %add3A_352 = arith.addf %min3A_317, %add3A_351 : vector<28x28x256xf32>
    %jit3A_353 = arith.constant 0.000000e+00 : f32
    %broadcast_in_dim3A_354 = vector.broadcast %jit3A_353 : f32 to vector<28x28x256xf32>
    %select_n3A_355 = arith.select %eq3A_349, %broadcast_in_dim3A_354, %add3A_352 : vector<28x28x256xi1>, vector<28x28x256xf32>
    %ge3A_356 = arith.constant 5.000000e+00 : f32
    %ge3A_357 = vector.broadcast %ge3A_356 : f32 to vector<28x28x256xf32>
    %ge3A_358 = arith.cmpf oge, %select_n3A_355, %ge3A_357 : vector<28x28x256xf32>
    %sub3A_359 = arith.constant 5.000000e+00 : f32
    %sub3A_360 = vector.broadcast %sub3A_359 : f32 to vector<28x28x256xf32>
    %sub3A_361 = arith.subf %select_n3A_355, %sub3A_360 : vector<28x28x256xf32>
    %select_n3A_362 = arith.select %ge3A_358, %sub3A_361, %select_n3A_355 : vector<28x28x256xi1>, vector<28x28x256xf32>
    %eq3A_363 = arith.constant 0.000000e+00 : f32
    %eq3A_364 = vector.broadcast %eq3A_363 : f32 to vector<28x28x256xf32>
    %eq3A_365 = arith.cmpf oeq, %select_n3A_331, %eq3A_364 : vector<28x28x256xf32>
    %eq3A_366 = arith.constant 0.000000e+00 : f32
    %eq3A_367 = vector.broadcast %eq3A_366 : f32 to vector<28x28x256xf32>
    %eq3A_368 = arith.cmpf oeq, %select_n3A_362, %eq3A_367 : vector<28x28x256xf32>
    %jit3A_369 = arith.constant 0 : i32
    %broadcast_in_dim3A_370 = vector.broadcast %jit3A_369 : i32 to vector<28x28x256xi32>
    %select_n3A_371 = arith.select %eq3A_368, %select_n3A_346, %broadcast_in_dim3A_370 : vector<28x28x256xi1>, vector<28x28x256xi32>
    %select_n3A_372 = arith.select %eq3A_365, %select_n3A_335, %select_n3A_371 : vector<28x28x256xi1>, vector<28x28x256xi32>
    %slice3A_373 = vector.extract_strided_slice %select_n3A_372 {offsets = [0, 0, 0], sizes = [27, 28, 256], strides = [1, 1, 1]} : vector<28x28x256xi32> to vector<27x28x256xi32>
    %reshape3A_374 = vector.shape_cast %slice3A_373 : vector<27x28x256xi32> to vector<9x3x28x256xi32>
    %slice3A_375 = vector.extract_strided_slice %reshape3A_374 {offsets = [0, 0, 0, 0], sizes = [9, 1, 28, 256], strides = [1, 1, 1, 1]} : vector<9x3x28x256xi32> to vector<9x1x28x256xi32>
    %squeeze3A_376 = vector.shape_cast %slice3A_375 : vector<9x1x28x256xi32> to vector<9x28x256xi32>
    %slice3A_377 = vector.extract_strided_slice %reshape3A_374 {offsets = [0, 1, 0, 0], sizes = [9, 1, 28, 256], strides = [1, 1, 1, 1]} : vector<9x3x28x256xi32> to vector<9x1x28x256xi32>
    %squeeze3A_378 = vector.shape_cast %slice3A_377 : vector<9x1x28x256xi32> to vector<9x28x256xi32>
    %add3A_379 = arith.addi %squeeze3A_376, %squeeze3A_378 : vector<9x28x256xi32>
    %slice3A_380 = vector.extract_strided_slice %reshape3A_374 {offsets = [0, 2, 0, 0], sizes = [9, 1, 28, 256], strides = [1, 1, 1, 1]} : vector<9x3x28x256xi32> to vector<9x1x28x256xi32>
    %squeeze3A_381 = vector.shape_cast %slice3A_380 : vector<9x1x28x256xi32> to vector<9x28x256xi32>
    %add3A_382 = arith.addi %add3A_379, %squeeze3A_381 : vector<9x28x256xi32>
    %slice3A_383 = vector.extract_strided_slice %select_n3A_372 {offsets = [27, 0, 0], sizes = [1, 28, 256], strides = [1, 1, 1]} : vector<28x28x256xi32> to vector<1x28x256xi32>
    %reduce_sum3A_384 = arith.constant dense<0> : vector<28x256xi32>
    %reduce_sum3A_385 = vector.multi_reduction <add>, %slice3A_383, %reduce_sum3A_384 [0] : vector<1x28x256xi32> to vector<28x256xi32>
    %broadcast_in_dim3A_386 = vector.shape_cast %reduce_sum3A_385 : vector<28x256xi32> to vector<1x28x256xi32>
    %slice3A_387 = vector.extract_strided_slice %add3A_382 {offsets = [0, 0, 0], sizes = [8, 28, 256], strides = [1, 1, 1]} : vector<9x28x256xi32> to vector<8x28x256xi32>
    %slice3A_388 = vector.extract_strided_slice %add3A_382 {offsets = [8, 0, 0], sizes = [1, 28, 256], strides = [1, 1, 1]} : vector<9x28x256xi32> to vector<1x28x256xi32>
    %add3A_389 = arith.addi %slice3A_388, %broadcast_in_dim3A_386 : vector<1x28x256xi32>
    %concatenate3A_390 = tpu.concatenate %slice3A_387, %add3A_389 in 0 : vector<8x28x256xi32>, vector<1x28x256xi32> -> vector<9x28x256xi32>
    %slice3A_391 = vector.extract_strided_slice %concatenate3A_390 {offsets = [0, 1, 0], sizes = [9, 27, 256], strides = [1, 1, 1]} : vector<9x28x256xi32> to vector<9x27x256xi32>
    %slice3A_392 = vector.extract_strided_slice %concatenate3A_390 {offsets = [0, 0, 0], sizes = [9, 1, 256], strides = [1, 1, 1]} : vector<9x28x256xi32> to vector<9x1x256xi32>
    %concatenate3A_393 = tpu.concatenate %slice3A_391, %slice3A_392 in 1 : vector<9x27x256xi32>, vector<9x1x256xi32> -> vector<9x28x256xi32>
    %add3A_394 = arith.addi %concatenate3A_390, %concatenate3A_393 : vector<9x28x256xi32>
    %slice3A_395 = vector.extract_strided_slice %concatenate3A_390 {offsets = [0, 2, 0], sizes = [9, 26, 256], strides = [1, 1, 1]} : vector<9x28x256xi32> to vector<9x26x256xi32>
    %slice3A_396 = vector.extract_strided_slice %concatenate3A_390 {offsets = [0, 0, 0], sizes = [9, 2, 256], strides = [1, 1, 1]} : vector<9x28x256xi32> to vector<9x2x256xi32>
    %concatenate3A_397 = tpu.concatenate %slice3A_395, %slice3A_396 in 1 : vector<9x26x256xi32>, vector<9x2x256xi32> -> vector<9x28x256xi32>
    %add3A_398 = arith.addi %add3A_394, %concatenate3A_397 : vector<9x28x256xi32>
    %iota3A = tpu.iota {dimensions = array<i32: 1>} : vector<9x28x256xi32>
    %eq3A_399 = arith.constant 24 : i32
    %eq3A_400 = vector.broadcast %eq3A_399 : i32 to vector<9x28x256xi32>
    %eq3A_401 = arith.cmpi eq, %iota3A, %eq3A_400 : vector<9x28x256xi32>
    %slice3A_402 = vector.extract_strided_slice %concatenate3A_390 {offsets = [0, 3, 0], sizes = [9, 25, 256], strides = [1, 1, 1]} : vector<9x28x256xi32> to vector<9x25x256xi32>
    %slice3A_403 = vector.extract_strided_slice %concatenate3A_390 {offsets = [0, 0, 0], sizes = [9, 3, 256], strides = [1, 1, 1]} : vector<9x28x256xi32> to vector<9x3x256xi32>
    %concatenate3A_404 = tpu.concatenate %slice3A_402, %slice3A_403 in 1 : vector<9x25x256xi32>, vector<9x3x256xi32> -> vector<9x28x256xi32>
    %broadcast_in_dim3A_405 = arith.constant 0 : i32
    %broadcast_in_dim3A_406 = vector.broadcast %broadcast_in_dim3A_405 : i32 to vector<9x28x256xi32>
    %select_n3A_407 = arith.select %eq3A_401, %concatenate3A_404, %broadcast_in_dim3A_406 : vector<9x28x256xi1>, vector<9x28x256xi32>
    %add3A_408 = arith.addi %add3A_398, %select_n3A_407 : vector<9x28x256xi32>
    %slice3A_409 = vector.extract_strided_slice %add3A_408 {offsets = [0, 0, 0], sizes = [9, 27, 256], strides = [1, 1, 1]} : vector<9x28x256xi32> to vector<9x27x256xi32>
    %reshape3A_410 = vector.shape_cast %slice3A_409 : vector<9x27x256xi32> to vector<9x9x3x256xi32>
    %slice3A_411 = vector.extract_strided_slice %reshape3A_410 {offsets = [0, 0, 0, 0], sizes = [9, 9, 1, 256], strides = [1, 1, 1, 1]} : vector<9x9x3x256xi32> to vector<9x9x1x256xi32>
    %squeeze3A_412 = vector.shape_cast %slice3A_411 : vector<9x9x1x256xi32> to vector<9x9x256xi32>
    %eq3A_413 = arith.constant 1.000000e+00 : f32
    %eq3A_414 = vector.broadcast %eq3A_413 : f32 to vector<28x28x256xf32>
    %eq3A_415 = arith.cmpf oeq, %select_n3A_331, %eq3A_414 : vector<28x28x256xf32>
    %eq3A_416 = arith.constant 1.000000e+00 : f32
    %eq3A_417 = vector.broadcast %eq3A_416 : f32 to vector<28x28x256xf32>
    %eq3A_418 = arith.cmpf oeq, %select_n3A_362, %eq3A_417 : vector<28x28x256xf32>
    %jit3A_419 = arith.constant 0 : i32
    %broadcast_in_dim3A_420 = vector.broadcast %jit3A_419 : i32 to vector<28x28x256xi32>
    %select_n3A_421 = arith.select %eq3A_418, %select_n3A_346, %broadcast_in_dim3A_420 : vector<28x28x256xi1>, vector<28x28x256xi32>
    %select_n3A_422 = arith.select %eq3A_415, %select_n3A_335, %select_n3A_421 : vector<28x28x256xi1>, vector<28x28x256xi32>
    %slice3A_423 = vector.extract_strided_slice %select_n3A_422 {offsets = [0, 0, 0], sizes = [27, 28, 256], strides = [1, 1, 1]} : vector<28x28x256xi32> to vector<27x28x256xi32>
    %reshape3A_424 = vector.shape_cast %slice3A_423 : vector<27x28x256xi32> to vector<9x3x28x256xi32>
    %slice3A_425 = vector.extract_strided_slice %reshape3A_424 {offsets = [0, 0, 0, 0], sizes = [9, 1, 28, 256], strides = [1, 1, 1, 1]} : vector<9x3x28x256xi32> to vector<9x1x28x256xi32>
    %squeeze3A_426 = vector.shape_cast %slice3A_425 : vector<9x1x28x256xi32> to vector<9x28x256xi32>
    %slice3A_427 = vector.extract_strided_slice %reshape3A_424 {offsets = [0, 1, 0, 0], sizes = [9, 1, 28, 256], strides = [1, 1, 1, 1]} : vector<9x3x28x256xi32> to vector<9x1x28x256xi32>
    %squeeze3A_428 = vector.shape_cast %slice3A_427 : vector<9x1x28x256xi32> to vector<9x28x256xi32>
    %add3A_429 = arith.addi %squeeze3A_426, %squeeze3A_428 : vector<9x28x256xi32>
    %slice3A_430 = vector.extract_strided_slice %reshape3A_424 {offsets = [0, 2, 0, 0], sizes = [9, 1, 28, 256], strides = [1, 1, 1, 1]} : vector<9x3x28x256xi32> to vector<9x1x28x256xi32>
    %squeeze3A_431 = vector.shape_cast %slice3A_430 : vector<9x1x28x256xi32> to vector<9x28x256xi32>
    %add3A_432 = arith.addi %add3A_429, %squeeze3A_431 : vector<9x28x256xi32>
    %slice3A_433 = vector.extract_strided_slice %select_n3A_422 {offsets = [27, 0, 0], sizes = [1, 28, 256], strides = [1, 1, 1]} : vector<28x28x256xi32> to vector<1x28x256xi32>
    %reduce_sum3A_434 = arith.constant dense<0> : vector<28x256xi32>
    %reduce_sum3A_435 = vector.multi_reduction <add>, %slice3A_433, %reduce_sum3A_434 [0] : vector<1x28x256xi32> to vector<28x256xi32>
    %broadcast_in_dim3A_436 = vector.shape_cast %reduce_sum3A_435 : vector<28x256xi32> to vector<1x28x256xi32>
    %slice3A_437 = vector.extract_strided_slice %add3A_432 {offsets = [0, 0, 0], sizes = [8, 28, 256], strides = [1, 1, 1]} : vector<9x28x256xi32> to vector<8x28x256xi32>
    %slice3A_438 = vector.extract_strided_slice %add3A_432 {offsets = [8, 0, 0], sizes = [1, 28, 256], strides = [1, 1, 1]} : vector<9x28x256xi32> to vector<1x28x256xi32>
    %add3A_439 = arith.addi %slice3A_438, %broadcast_in_dim3A_436 : vector<1x28x256xi32>
    %concatenate3A_440 = tpu.concatenate %slice3A_437, %add3A_439 in 0 : vector<8x28x256xi32>, vector<1x28x256xi32> -> vector<9x28x256xi32>
    %slice3A_441 = vector.extract_strided_slice %concatenate3A_440 {offsets = [0, 1, 0], sizes = [9, 27, 256], strides = [1, 1, 1]} : vector<9x28x256xi32> to vector<9x27x256xi32>
    %slice3A_442 = vector.extract_strided_slice %concatenate3A_440 {offsets = [0, 0, 0], sizes = [9, 1, 256], strides = [1, 1, 1]} : vector<9x28x256xi32> to vector<9x1x256xi32>
    %concatenate3A_443 = tpu.concatenate %slice3A_441, %slice3A_442 in 1 : vector<9x27x256xi32>, vector<9x1x256xi32> -> vector<9x28x256xi32>
    %add3A_444 = arith.addi %concatenate3A_440, %concatenate3A_443 : vector<9x28x256xi32>
    %slice3A_445 = vector.extract_strided_slice %concatenate3A_440 {offsets = [0, 2, 0], sizes = [9, 26, 256], strides = [1, 1, 1]} : vector<9x28x256xi32> to vector<9x26x256xi32>
    %slice3A_446 = vector.extract_strided_slice %concatenate3A_440 {offsets = [0, 0, 0], sizes = [9, 2, 256], strides = [1, 1, 1]} : vector<9x28x256xi32> to vector<9x2x256xi32>
    %concatenate3A_447 = tpu.concatenate %slice3A_445, %slice3A_446 in 1 : vector<9x26x256xi32>, vector<9x2x256xi32> -> vector<9x28x256xi32>
    %add3A_448 = arith.addi %add3A_444, %concatenate3A_447 : vector<9x28x256xi32>
    %iota3A_449 = tpu.iota {dimensions = array<i32: 1>} : vector<9x28x256xi32>
    %eq3A_450 = arith.constant 24 : i32
    %eq3A_451 = vector.broadcast %eq3A_450 : i32 to vector<9x28x256xi32>
    %eq3A_452 = arith.cmpi eq, %iota3A_449, %eq3A_451 : vector<9x28x256xi32>
    %slice3A_453 = vector.extract_strided_slice %concatenate3A_440 {offsets = [0, 3, 0], sizes = [9, 25, 256], strides = [1, 1, 1]} : vector<9x28x256xi32> to vector<9x25x256xi32>
    %slice3A_454 = vector.extract_strided_slice %concatenate3A_440 {offsets = [0, 0, 0], sizes = [9, 3, 256], strides = [1, 1, 1]} : vector<9x28x256xi32> to vector<9x3x256xi32>
    %concatenate3A_455 = tpu.concatenate %slice3A_453, %slice3A_454 in 1 : vector<9x25x256xi32>, vector<9x3x256xi32> -> vector<9x28x256xi32>
    %broadcast_in_dim3A_456 = arith.constant 0 : i32
    %broadcast_in_dim3A_457 = vector.broadcast %broadcast_in_dim3A_456 : i32 to vector<9x28x256xi32>
    %select_n3A_458 = arith.select %eq3A_452, %concatenate3A_455, %broadcast_in_dim3A_457 : vector<9x28x256xi1>, vector<9x28x256xi32>
    %add3A_459 = arith.addi %add3A_448, %select_n3A_458 : vector<9x28x256xi32>
    %slice3A_460 = vector.extract_strided_slice %add3A_459 {offsets = [0, 0, 0], sizes = [9, 27, 256], strides = [1, 1, 1]} : vector<9x28x256xi32> to vector<9x27x256xi32>
    %reshape3A_461 = vector.shape_cast %slice3A_460 : vector<9x27x256xi32> to vector<9x9x3x256xi32>
    %slice3A_462 = vector.extract_strided_slice %reshape3A_461 {offsets = [0, 0, 0, 0], sizes = [9, 9, 1, 256], strides = [1, 1, 1, 1]} : vector<9x9x3x256xi32> to vector<9x9x1x256xi32>
    %squeeze3A_463 = vector.shape_cast %slice3A_462 : vector<9x9x1x256xi32> to vector<9x9x256xi32>
    %eq3A_464 = arith.constant 2.000000e+00 : f32
    %eq3A_465 = vector.broadcast %eq3A_464 : f32 to vector<28x28x256xf32>
    %eq3A_466 = arith.cmpf oeq, %select_n3A_331, %eq3A_465 : vector<28x28x256xf32>
    %eq3A_467 = arith.constant 2.000000e+00 : f32
    %eq3A_468 = vector.broadcast %eq3A_467 : f32 to vector<28x28x256xf32>
    %eq3A_469 = arith.cmpf oeq, %select_n3A_362, %eq3A_468 : vector<28x28x256xf32>
    %jit3A_470 = arith.constant 0 : i32
    %broadcast_in_dim3A_471 = vector.broadcast %jit3A_470 : i32 to vector<28x28x256xi32>
    %select_n3A_472 = arith.select %eq3A_469, %select_n3A_346, %broadcast_in_dim3A_471 : vector<28x28x256xi1>, vector<28x28x256xi32>
    %select_n3A_473 = arith.select %eq3A_466, %select_n3A_335, %select_n3A_472 : vector<28x28x256xi1>, vector<28x28x256xi32>
    %slice3A_474 = vector.extract_strided_slice %select_n3A_473 {offsets = [0, 0, 0], sizes = [27, 28, 256], strides = [1, 1, 1]} : vector<28x28x256xi32> to vector<27x28x256xi32>
    %reshape3A_475 = vector.shape_cast %slice3A_474 : vector<27x28x256xi32> to vector<9x3x28x256xi32>
    %slice3A_476 = vector.extract_strided_slice %reshape3A_475 {offsets = [0, 0, 0, 0], sizes = [9, 1, 28, 256], strides = [1, 1, 1, 1]} : vector<9x3x28x256xi32> to vector<9x1x28x256xi32>
    %squeeze3A_477 = vector.shape_cast %slice3A_476 : vector<9x1x28x256xi32> to vector<9x28x256xi32>
    %slice3A_478 = vector.extract_strided_slice %reshape3A_475 {offsets = [0, 1, 0, 0], sizes = [9, 1, 28, 256], strides = [1, 1, 1, 1]} : vector<9x3x28x256xi32> to vector<9x1x28x256xi32>
    %squeeze3A_479 = vector.shape_cast %slice3A_478 : vector<9x1x28x256xi32> to vector<9x28x256xi32>
    %add3A_480 = arith.addi %squeeze3A_477, %squeeze3A_479 : vector<9x28x256xi32>
    %slice3A_481 = vector.extract_strided_slice %reshape3A_475 {offsets = [0, 2, 0, 0], sizes = [9, 1, 28, 256], strides = [1, 1, 1, 1]} : vector<9x3x28x256xi32> to vector<9x1x28x256xi32>
    %squeeze3A_482 = vector.shape_cast %slice3A_481 : vector<9x1x28x256xi32> to vector<9x28x256xi32>
    %add3A_483 = arith.addi %add3A_480, %squeeze3A_482 : vector<9x28x256xi32>
    %slice3A_484 = vector.extract_strided_slice %select_n3A_473 {offsets = [27, 0, 0], sizes = [1, 28, 256], strides = [1, 1, 1]} : vector<28x28x256xi32> to vector<1x28x256xi32>
    %reduce_sum3A_485 = arith.constant dense<0> : vector<28x256xi32>
    %reduce_sum3A_486 = vector.multi_reduction <add>, %slice3A_484, %reduce_sum3A_485 [0] : vector<1x28x256xi32> to vector<28x256xi32>
    %broadcast_in_dim3A_487 = vector.shape_cast %reduce_sum3A_486 : vector<28x256xi32> to vector<1x28x256xi32>
    %slice3A_488 = vector.extract_strided_slice %add3A_483 {offsets = [0, 0, 0], sizes = [8, 28, 256], strides = [1, 1, 1]} : vector<9x28x256xi32> to vector<8x28x256xi32>
    %slice3A_489 = vector.extract_strided_slice %add3A_483 {offsets = [8, 0, 0], sizes = [1, 28, 256], strides = [1, 1, 1]} : vector<9x28x256xi32> to vector<1x28x256xi32>
    %add3A_490 = arith.addi %slice3A_489, %broadcast_in_dim3A_487 : vector<1x28x256xi32>
    %concatenate3A_491 = tpu.concatenate %slice3A_488, %add3A_490 in 0 : vector<8x28x256xi32>, vector<1x28x256xi32> -> vector<9x28x256xi32>
    %slice3A_492 = vector.extract_strided_slice %concatenate3A_491 {offsets = [0, 1, 0], sizes = [9, 27, 256], strides = [1, 1, 1]} : vector<9x28x256xi32> to vector<9x27x256xi32>
    %slice3A_493 = vector.extract_strided_slice %concatenate3A_491 {offsets = [0, 0, 0], sizes = [9, 1, 256], strides = [1, 1, 1]} : vector<9x28x256xi32> to vector<9x1x256xi32>
    %concatenate3A_494 = tpu.concatenate %slice3A_492, %slice3A_493 in 1 : vector<9x27x256xi32>, vector<9x1x256xi32> -> vector<9x28x256xi32>
    %add3A_495 = arith.addi %concatenate3A_491, %concatenate3A_494 : vector<9x28x256xi32>
    %slice3A_496 = vector.extract_strided_slice %concatenate3A_491 {offsets = [0, 2, 0], sizes = [9, 26, 256], strides = [1, 1, 1]} : vector<9x28x256xi32> to vector<9x26x256xi32>
    %slice3A_497 = vector.extract_strided_slice %concatenate3A_491 {offsets = [0, 0, 0], sizes = [9, 2, 256], strides = [1, 1, 1]} : vector<9x28x256xi32> to vector<9x2x256xi32>
    %concatenate3A_498 = tpu.concatenate %slice3A_496, %slice3A_497 in 1 : vector<9x26x256xi32>, vector<9x2x256xi32> -> vector<9x28x256xi32>
    %add3A_499 = arith.addi %add3A_495, %concatenate3A_498 : vector<9x28x256xi32>
    %iota3A_500 = tpu.iota {dimensions = array<i32: 1>} : vector<9x28x256xi32>
    %eq3A_501 = arith.constant 24 : i32
    %eq3A_502 = vector.broadcast %eq3A_501 : i32 to vector<9x28x256xi32>
    %eq3A_503 = arith.cmpi eq, %iota3A_500, %eq3A_502 : vector<9x28x256xi32>
    %slice3A_504 = vector.extract_strided_slice %concatenate3A_491 {offsets = [0, 3, 0], sizes = [9, 25, 256], strides = [1, 1, 1]} : vector<9x28x256xi32> to vector<9x25x256xi32>
    %slice3A_505 = vector.extract_strided_slice %concatenate3A_491 {offsets = [0, 0, 0], sizes = [9, 3, 256], strides = [1, 1, 1]} : vector<9x28x256xi32> to vector<9x3x256xi32>
    %concatenate3A_506 = tpu.concatenate %slice3A_504, %slice3A_505 in 1 : vector<9x25x256xi32>, vector<9x3x256xi32> -> vector<9x28x256xi32>
    %broadcast_in_dim3A_507 = arith.constant 0 : i32
    %broadcast_in_dim3A_508 = vector.broadcast %broadcast_in_dim3A_507 : i32 to vector<9x28x256xi32>
    %select_n3A_509 = arith.select %eq3A_503, %concatenate3A_506, %broadcast_in_dim3A_508 : vector<9x28x256xi1>, vector<9x28x256xi32>
    %add3A_510 = arith.addi %add3A_499, %select_n3A_509 : vector<9x28x256xi32>
    %slice3A_511 = vector.extract_strided_slice %add3A_510 {offsets = [0, 0, 0], sizes = [9, 27, 256], strides = [1, 1, 1]} : vector<9x28x256xi32> to vector<9x27x256xi32>
    %reshape3A_512 = vector.shape_cast %slice3A_511 : vector<9x27x256xi32> to vector<9x9x3x256xi32>
    %slice3A_513 = vector.extract_strided_slice %reshape3A_512 {offsets = [0, 0, 0, 0], sizes = [9, 9, 1, 256], strides = [1, 1, 1, 1]} : vector<9x9x3x256xi32> to vector<9x9x1x256xi32>
    %squeeze3A_514 = vector.shape_cast %slice3A_513 : vector<9x9x1x256xi32> to vector<9x9x256xi32>
    %eq3A_515 = arith.constant 3.000000e+00 : f32
    %eq3A_516 = vector.broadcast %eq3A_515 : f32 to vector<28x28x256xf32>
    %eq3A_517 = arith.cmpf oeq, %select_n3A_331, %eq3A_516 : vector<28x28x256xf32>
    %eq3A_518 = arith.constant 3.000000e+00 : f32
    %eq3A_519 = vector.broadcast %eq3A_518 : f32 to vector<28x28x256xf32>
    %eq3A_520 = arith.cmpf oeq, %select_n3A_362, %eq3A_519 : vector<28x28x256xf32>
    %jit3A_521 = arith.constant 0 : i32
    %broadcast_in_dim3A_522 = vector.broadcast %jit3A_521 : i32 to vector<28x28x256xi32>
    %select_n3A_523 = arith.select %eq3A_520, %select_n3A_346, %broadcast_in_dim3A_522 : vector<28x28x256xi1>, vector<28x28x256xi32>
    %select_n3A_524 = arith.select %eq3A_517, %select_n3A_335, %select_n3A_523 : vector<28x28x256xi1>, vector<28x28x256xi32>
    %slice3A_525 = vector.extract_strided_slice %select_n3A_524 {offsets = [0, 0, 0], sizes = [27, 28, 256], strides = [1, 1, 1]} : vector<28x28x256xi32> to vector<27x28x256xi32>
    %reshape3A_526 = vector.shape_cast %slice3A_525 : vector<27x28x256xi32> to vector<9x3x28x256xi32>
    %slice3A_527 = vector.extract_strided_slice %reshape3A_526 {offsets = [0, 0, 0, 0], sizes = [9, 1, 28, 256], strides = [1, 1, 1, 1]} : vector<9x3x28x256xi32> to vector<9x1x28x256xi32>
    %squeeze3A_528 = vector.shape_cast %slice3A_527 : vector<9x1x28x256xi32> to vector<9x28x256xi32>
    %slice3A_529 = vector.extract_strided_slice %reshape3A_526 {offsets = [0, 1, 0, 0], sizes = [9, 1, 28, 256], strides = [1, 1, 1, 1]} : vector<9x3x28x256xi32> to vector<9x1x28x256xi32>
    %squeeze3A_530 = vector.shape_cast %slice3A_529 : vector<9x1x28x256xi32> to vector<9x28x256xi32>
    %add3A_531 = arith.addi %squeeze3A_528, %squeeze3A_530 : vector<9x28x256xi32>
    %slice3A_532 = vector.extract_strided_slice %reshape3A_526 {offsets = [0, 2, 0, 0], sizes = [9, 1, 28, 256], strides = [1, 1, 1, 1]} : vector<9x3x28x256xi32> to vector<9x1x28x256xi32>
    %squeeze3A_533 = vector.shape_cast %slice3A_532 : vector<9x1x28x256xi32> to vector<9x28x256xi32>
    %add3A_534 = arith.addi %add3A_531, %squeeze3A_533 : vector<9x28x256xi32>
    %slice3A_535 = vector.extract_strided_slice %select_n3A_524 {offsets = [27, 0, 0], sizes = [1, 28, 256], strides = [1, 1, 1]} : vector<28x28x256xi32> to vector<1x28x256xi32>
    %reduce_sum3A_536 = arith.constant dense<0> : vector<28x256xi32>
    %reduce_sum3A_537 = vector.multi_reduction <add>, %slice3A_535, %reduce_sum3A_536 [0] : vector<1x28x256xi32> to vector<28x256xi32>
    %broadcast_in_dim3A_538 = vector.shape_cast %reduce_sum3A_537 : vector<28x256xi32> to vector<1x28x256xi32>
    %slice3A_539 = vector.extract_strided_slice %add3A_534 {offsets = [0, 0, 0], sizes = [8, 28, 256], strides = [1, 1, 1]} : vector<9x28x256xi32> to vector<8x28x256xi32>
    %slice3A_540 = vector.extract_strided_slice %add3A_534 {offsets = [8, 0, 0], sizes = [1, 28, 256], strides = [1, 1, 1]} : vector<9x28x256xi32> to vector<1x28x256xi32>
    %add3A_541 = arith.addi %slice3A_540, %broadcast_in_dim3A_538 : vector<1x28x256xi32>
    %concatenate3A_542 = tpu.concatenate %slice3A_539, %add3A_541 in 0 : vector<8x28x256xi32>, vector<1x28x256xi32> -> vector<9x28x256xi32>
    %slice3A_543 = vector.extract_strided_slice %concatenate3A_542 {offsets = [0, 1, 0], sizes = [9, 27, 256], strides = [1, 1, 1]} : vector<9x28x256xi32> to vector<9x27x256xi32>
    %slice3A_544 = vector.extract_strided_slice %concatenate3A_542 {offsets = [0, 0, 0], sizes = [9, 1, 256], strides = [1, 1, 1]} : vector<9x28x256xi32> to vector<9x1x256xi32>
    %concatenate3A_545 = tpu.concatenate %slice3A_543, %slice3A_544 in 1 : vector<9x27x256xi32>, vector<9x1x256xi32> -> vector<9x28x256xi32>
    %add3A_546 = arith.addi %concatenate3A_542, %concatenate3A_545 : vector<9x28x256xi32>
    %slice3A_547 = vector.extract_strided_slice %concatenate3A_542 {offsets = [0, 2, 0], sizes = [9, 26, 256], strides = [1, 1, 1]} : vector<9x28x256xi32> to vector<9x26x256xi32>
    %slice3A_548 = vector.extract_strided_slice %concatenate3A_542 {offsets = [0, 0, 0], sizes = [9, 2, 256], strides = [1, 1, 1]} : vector<9x28x256xi32> to vector<9x2x256xi32>
    %concatenate3A_549 = tpu.concatenate %slice3A_547, %slice3A_548 in 1 : vector<9x26x256xi32>, vector<9x2x256xi32> -> vector<9x28x256xi32>
    %add3A_550 = arith.addi %add3A_546, %concatenate3A_549 : vector<9x28x256xi32>
    %iota3A_551 = tpu.iota {dimensions = array<i32: 1>} : vector<9x28x256xi32>
    %eq3A_552 = arith.constant 24 : i32
    %eq3A_553 = vector.broadcast %eq3A_552 : i32 to vector<9x28x256xi32>
    %eq3A_554 = arith.cmpi eq, %iota3A_551, %eq3A_553 : vector<9x28x256xi32>
    %slice3A_555 = vector.extract_strided_slice %concatenate3A_542 {offsets = [0, 3, 0], sizes = [9, 25, 256], strides = [1, 1, 1]} : vector<9x28x256xi32> to vector<9x25x256xi32>
    %slice3A_556 = vector.extract_strided_slice %concatenate3A_542 {offsets = [0, 0, 0], sizes = [9, 3, 256], strides = [1, 1, 1]} : vector<9x28x256xi32> to vector<9x3x256xi32>
    %concatenate3A_557 = tpu.concatenate %slice3A_555, %slice3A_556 in 1 : vector<9x25x256xi32>, vector<9x3x256xi32> -> vector<9x28x256xi32>
    %broadcast_in_dim3A_558 = arith.constant 0 : i32
    %broadcast_in_dim3A_559 = vector.broadcast %broadcast_in_dim3A_558 : i32 to vector<9x28x256xi32>
    %select_n3A_560 = arith.select %eq3A_554, %concatenate3A_557, %broadcast_in_dim3A_559 : vector<9x28x256xi1>, vector<9x28x256xi32>
    %add3A_561 = arith.addi %add3A_550, %select_n3A_560 : vector<9x28x256xi32>
    %slice3A_562 = vector.extract_strided_slice %add3A_561 {offsets = [0, 0, 0], sizes = [9, 27, 256], strides = [1, 1, 1]} : vector<9x28x256xi32> to vector<9x27x256xi32>
    %reshape3A_563 = vector.shape_cast %slice3A_562 : vector<9x27x256xi32> to vector<9x9x3x256xi32>
    %slice3A_564 = vector.extract_strided_slice %reshape3A_563 {offsets = [0, 0, 0, 0], sizes = [9, 9, 1, 256], strides = [1, 1, 1, 1]} : vector<9x9x3x256xi32> to vector<9x9x1x256xi32>
    %squeeze3A_565 = vector.shape_cast %slice3A_564 : vector<9x9x1x256xi32> to vector<9x9x256xi32>
    %eq3A_566 = arith.constant 4.000000e+00 : f32
    %eq3A_567 = vector.broadcast %eq3A_566 : f32 to vector<28x28x256xf32>
    %eq3A_568 = arith.cmpf oeq, %select_n3A_331, %eq3A_567 : vector<28x28x256xf32>
    %eq3A_569 = arith.constant 4.000000e+00 : f32
    %eq3A_570 = vector.broadcast %eq3A_569 : f32 to vector<28x28x256xf32>
    %eq3A_571 = arith.cmpf oeq, %select_n3A_362, %eq3A_570 : vector<28x28x256xf32>
    %jit3A_572 = arith.constant 0 : i32
    %broadcast_in_dim3A_573 = vector.broadcast %jit3A_572 : i32 to vector<28x28x256xi32>
    %select_n3A_574 = arith.select %eq3A_571, %select_n3A_346, %broadcast_in_dim3A_573 : vector<28x28x256xi1>, vector<28x28x256xi32>
    %select_n3A_575 = arith.select %eq3A_568, %select_n3A_335, %select_n3A_574 : vector<28x28x256xi1>, vector<28x28x256xi32>
    %slice3A_576 = vector.extract_strided_slice %select_n3A_575 {offsets = [0, 0, 0], sizes = [27, 28, 256], strides = [1, 1, 1]} : vector<28x28x256xi32> to vector<27x28x256xi32>
    %reshape3A_577 = vector.shape_cast %slice3A_576 : vector<27x28x256xi32> to vector<9x3x28x256xi32>
    %slice3A_578 = vector.extract_strided_slice %reshape3A_577 {offsets = [0, 0, 0, 0], sizes = [9, 1, 28, 256], strides = [1, 1, 1, 1]} : vector<9x3x28x256xi32> to vector<9x1x28x256xi32>
    %squeeze3A_579 = vector.shape_cast %slice3A_578 : vector<9x1x28x256xi32> to vector<9x28x256xi32>
    %slice3A_580 = vector.extract_strided_slice %reshape3A_577 {offsets = [0, 1, 0, 0], sizes = [9, 1, 28, 256], strides = [1, 1, 1, 1]} : vector<9x3x28x256xi32> to vector<9x1x28x256xi32>
    %squeeze3A_581 = vector.shape_cast %slice3A_580 : vector<9x1x28x256xi32> to vector<9x28x256xi32>
    %add3A_582 = arith.addi %squeeze3A_579, %squeeze3A_581 : vector<9x28x256xi32>
    %slice3A_583 = vector.extract_strided_slice %reshape3A_577 {offsets = [0, 2, 0, 0], sizes = [9, 1, 28, 256], strides = [1, 1, 1, 1]} : vector<9x3x28x256xi32> to vector<9x1x28x256xi32>
    %squeeze3A_584 = vector.shape_cast %slice3A_583 : vector<9x1x28x256xi32> to vector<9x28x256xi32>
    %add3A_585 = arith.addi %add3A_582, %squeeze3A_584 : vector<9x28x256xi32>
    %slice3A_586 = vector.extract_strided_slice %select_n3A_575 {offsets = [27, 0, 0], sizes = [1, 28, 256], strides = [1, 1, 1]} : vector<28x28x256xi32> to vector<1x28x256xi32>
    %reduce_sum3A_587 = arith.constant dense<0> : vector<28x256xi32>
    %reduce_sum3A_588 = vector.multi_reduction <add>, %slice3A_586, %reduce_sum3A_587 [0] : vector<1x28x256xi32> to vector<28x256xi32>
    %broadcast_in_dim3A_589 = vector.shape_cast %reduce_sum3A_588 : vector<28x256xi32> to vector<1x28x256xi32>
    %slice3A_590 = vector.extract_strided_slice %add3A_585 {offsets = [0, 0, 0], sizes = [8, 28, 256], strides = [1, 1, 1]} : vector<9x28x256xi32> to vector<8x28x256xi32>
    %slice3A_591 = vector.extract_strided_slice %add3A_585 {offsets = [8, 0, 0], sizes = [1, 28, 256], strides = [1, 1, 1]} : vector<9x28x256xi32> to vector<1x28x256xi32>
    %add3A_592 = arith.addi %slice3A_591, %broadcast_in_dim3A_589 : vector<1x28x256xi32>
    %concatenate3A_593 = tpu.concatenate %slice3A_590, %add3A_592 in 0 : vector<8x28x256xi32>, vector<1x28x256xi32> -> vector<9x28x256xi32>
    %slice3A_594 = vector.extract_strided_slice %concatenate3A_593 {offsets = [0, 1, 0], sizes = [9, 27, 256], strides = [1, 1, 1]} : vector<9x28x256xi32> to vector<9x27x256xi32>
    %slice3A_595 = vector.extract_strided_slice %concatenate3A_593 {offsets = [0, 0, 0], sizes = [9, 1, 256], strides = [1, 1, 1]} : vector<9x28x256xi32> to vector<9x1x256xi32>
    %concatenate3A_596 = tpu.concatenate %slice3A_594, %slice3A_595 in 1 : vector<9x27x256xi32>, vector<9x1x256xi32> -> vector<9x28x256xi32>
    %add3A_597 = arith.addi %concatenate3A_593, %concatenate3A_596 : vector<9x28x256xi32>
    %slice3A_598 = vector.extract_strided_slice %concatenate3A_593 {offsets = [0, 2, 0], sizes = [9, 26, 256], strides = [1, 1, 1]} : vector<9x28x256xi32> to vector<9x26x256xi32>
    %slice3A_599 = vector.extract_strided_slice %concatenate3A_593 {offsets = [0, 0, 0], sizes = [9, 2, 256], strides = [1, 1, 1]} : vector<9x28x256xi32> to vector<9x2x256xi32>
    %concatenate3A_600 = tpu.concatenate %slice3A_598, %slice3A_599 in 1 : vector<9x26x256xi32>, vector<9x2x256xi32> -> vector<9x28x256xi32>
    %add3A_601 = arith.addi %add3A_597, %concatenate3A_600 : vector<9x28x256xi32>
    %iota3A_602 = tpu.iota {dimensions = array<i32: 1>} : vector<9x28x256xi32>
    %eq3A_603 = arith.constant 24 : i32
    %eq3A_604 = vector.broadcast %eq3A_603 : i32 to vector<9x28x256xi32>
    %eq3A_605 = arith.cmpi eq, %iota3A_602, %eq3A_604 : vector<9x28x256xi32>
    %slice3A_606 = vector.extract_strided_slice %concatenate3A_593 {offsets = [0, 3, 0], sizes = [9, 25, 256], strides = [1, 1, 1]} : vector<9x28x256xi32> to vector<9x25x256xi32>
    %slice3A_607 = vector.extract_strided_slice %concatenate3A_593 {offsets = [0, 0, 0], sizes = [9, 3, 256], strides = [1, 1, 1]} : vector<9x28x256xi32> to vector<9x3x256xi32>
    %concatenate3A_608 = tpu.concatenate %slice3A_606, %slice3A_607 in 1 : vector<9x25x256xi32>, vector<9x3x256xi32> -> vector<9x28x256xi32>
    %broadcast_in_dim3A_609 = arith.constant 0 : i32
    %broadcast_in_dim3A_610 = vector.broadcast %broadcast_in_dim3A_609 : i32 to vector<9x28x256xi32>
    %select_n3A_611 = arith.select %eq3A_605, %concatenate3A_608, %broadcast_in_dim3A_610 : vector<9x28x256xi1>, vector<9x28x256xi32>
    %add3A_612 = arith.addi %add3A_601, %select_n3A_611 : vector<9x28x256xi32>
    %slice3A_613 = vector.extract_strided_slice %add3A_612 {offsets = [0, 0, 0], sizes = [9, 27, 256], strides = [1, 1, 1]} : vector<9x28x256xi32> to vector<9x27x256xi32>
    %reshape3A_614 = vector.shape_cast %slice3A_613 : vector<9x27x256xi32> to vector<9x9x3x256xi32>
    %slice3A_615 = vector.extract_strided_slice %reshape3A_614 {offsets = [0, 0, 0, 0], sizes = [9, 9, 1, 256], strides = [1, 1, 1, 1]} : vector<9x9x3x256xi32> to vector<9x9x1x256xi32>
    %squeeze3A_616 = vector.shape_cast %slice3A_615 : vector<9x9x1x256xi32> to vector<9x9x256xi32>
    %stack3A_617 = vector.shape_cast %squeeze3A_412 : vector<9x9x256xi32> to vector<9x9x1x256xi32>
    %stack3A_618 = vector.shape_cast %squeeze3A_463 : vector<9x9x256xi32> to vector<9x9x1x256xi32>
    %stack3A_619 = vector.shape_cast %squeeze3A_514 : vector<9x9x256xi32> to vector<9x9x1x256xi32>
    %stack3A_620 = vector.shape_cast %squeeze3A_565 : vector<9x9x256xi32> to vector<9x9x1x256xi32>
    %stack3A_621 = vector.shape_cast %squeeze3A_616 : vector<9x9x256xi32> to vector<9x9x1x256xi32>
    %stack3A_622 = tpu.concatenate %stack3A_617, %stack3A_618, %stack3A_619, %stack3A_620, %stack3A_621 in 2 : vector<9x9x1x256xi32>, vector<9x9x1x256xi32>, vector<9x9x1x256xi32>, vector<9x9x1x256xi32>, vector<9x9x1x256xi32> -> vector<9x9x5x256xi32>
    %and3A_623 = arith.constant 65535 : i32
    %and3A_624 = vector.broadcast %and3A_623 : i32 to vector<9x9x5x256xi32>
    %and3A_625 = arith.andi %stack3A_622, %and3A_624 : vector<9x9x5x256xi32>
    %convert_element_type3A_626 = arith.sitofp %and3A_625 : vector<9x9x5x256xi32> to vector<9x9x5x256xf32>
    %mul3A_627 = arith.constant 6.91562949E-4 : f32
    %mul3A_628 = vector.broadcast %mul3A_627 : f32 to vector<9x9x5x256xf32>
    %mul3A_629 = arith.mulf %convert_element_type3A_626, %mul3A_628 : vector<9x9x5x256xf32>
    %shift_right_arithmetic3A_630 = arith.constant 16 : i32
    %shift_right_arithmetic3A_631 = vector.broadcast %shift_right_arithmetic3A_630 : i32 to vector<9x9x5x256xi32>
    %shift_right_arithmetic3A_632 = arith.shrsi %stack3A_622, %shift_right_arithmetic3A_631 : vector<9x9x5x256xi32>
    %convert_element_type3A_633 = arith.sitofp %shift_right_arithmetic3A_632 : vector<9x9x5x256xi32> to vector<9x9x5x256xf32>
    %mul3A_634 = arith.constant 6.91562949E-4 : f32
    %mul3A_635 = vector.broadcast %mul3A_634 : f32 to vector<9x9x5x256xf32>
    %mul3A_636 = arith.mulf %convert_element_type3A_633, %mul3A_635 : vector<9x9x5x256xf32>
    %slice3A_637 = vector.extract_strided_slice %mul3A_636 {offsets = [0, 0, 0, 0], sizes = [9, 9, 4, 256], strides = [1, 1, 1, 1]} : vector<9x9x5x256xf32> to vector<9x9x4x256xf32>
    %concatenate3A_638 = tpu.concatenate %mul3A_629, %slice3A_637 in 2 : vector<9x9x5x256xf32>, vector<9x9x4x256xf32> -> vector<9x9x9x256xf32>
    %mul3A_639 = arith.mulf %concatenate3A_638, %concatenate3A_638 : vector<9x9x9x256xf32>
    %reduce_sum3A_640 = arith.constant dense<0.000000e+00> : vector<9x9x256xf32>
    %reduce_sum3A_641 = vector.multi_reduction <add>, %mul3A_639, %reduce_sum3A_640 [2] : vector<9x9x9x256xf32> to vector<9x9x256xf32>
    %broadcast_in_dim3A_642 = vector.shape_cast %reduce_sum3A_641 : vector<9x9x256xf32> to vector<9x9x1x256xf32>
    %slice3A_643 = vector.extract_strided_slice %broadcast_in_dim3A_642 {offsets = [0, 0, 0, 0], sizes = [8, 8, 1, 256], strides = [1, 1, 1, 1]} : vector<9x9x1x256xf32> to vector<8x8x1x256xf32>
    %slice3A_644 = vector.extract_strided_slice %broadcast_in_dim3A_642 {offsets = [0, 1, 0, 0], sizes = [8, 8, 1, 256], strides = [1, 1, 1, 1]} : vector<9x9x1x256xf32> to vector<8x8x1x256xf32>
    %add3A_645 = arith.addf %slice3A_643, %slice3A_644 : vector<8x8x1x256xf32>
    %slice3A_646 = vector.extract_strided_slice %broadcast_in_dim3A_642 {offsets = [1, 0, 0, 0], sizes = [8, 8, 1, 256], strides = [1, 1, 1, 1]} : vector<9x9x1x256xf32> to vector<8x8x1x256xf32>
    %add3A_647 = arith.addf %add3A_645, %slice3A_646 : vector<8x8x1x256xf32>
    %slice3A_648 = vector.extract_strided_slice %broadcast_in_dim3A_642 {offsets = [1, 1, 0, 0], sizes = [8, 8, 1, 256], strides = [1, 1, 1, 1]} : vector<9x9x1x256xf32> to vector<8x8x1x256xf32>
    %add3A_649 = arith.addf %add3A_647, %slice3A_648 : vector<8x8x1x256xf32>
    %slice3A_650 = vector.extract_strided_slice %concatenate3A_638 {offsets = [0, 0, 0, 0], sizes = [8, 8, 9, 256], strides = [1, 1, 1, 1]} : vector<9x9x9x256xf32> to vector<8x8x9x256xf32>
    %slice3A_651 = vector.extract_strided_slice %concatenate3A_638 {offsets = [0, 1, 0, 0], sizes = [8, 8, 9, 256], strides = [1, 1, 1, 1]} : vector<9x9x9x256xf32> to vector<8x8x9x256xf32>
    %slice3A_652 = vector.extract_strided_slice %concatenate3A_638 {offsets = [1, 0, 0, 0], sizes = [8, 8, 9, 256], strides = [1, 1, 1, 1]} : vector<9x9x9x256xf32> to vector<8x8x9x256xf32>
    %slice3A_653 = vector.extract_strided_slice %concatenate3A_638 {offsets = [1, 1, 0, 0], sizes = [8, 8, 9, 256], strides = [1, 1, 1, 1]} : vector<9x9x9x256xf32> to vector<8x8x9x256xf32>
    %concatenate3A_654 = tpu.concatenate %slice3A_650, %slice3A_651, %slice3A_652, %slice3A_653 in 2 : vector<8x8x9x256xf32>, vector<8x8x9x256xf32>, vector<8x8x9x256xf32>, vector<8x8x9x256xf32> -> vector<8x8x36x256xf32>
    %add3A_655 = arith.constant 9.99999997E-7 : f32
    %add3A_656 = vector.broadcast %add3A_655 : f32 to vector<8x8x1x256xf32>
    %add3A_657 = arith.addf %add3A_649, %add3A_656 : vector<8x8x1x256xf32>
    %rsqrt3A_658 = math.rsqrt %add3A_657 : vector<8x8x1x256xf32>
    %mul3A_659 = vector.broadcast %rsqrt3A_658 : vector<8x8x1x256xf32> to vector<8x8x36x256xf32>
    %mul3A_660 = arith.mulf %concatenate3A_654, %mul3A_659 : vector<8x8x36x256xf32>
    %min3A_661 = arith.constant 2.000000e-01 : f32
    %min3A_662 = vector.broadcast %min3A_661 : f32 to vector<8x8x36x256xf32>
    %min3A_663 = arith.minimumf %mul3A_660, %min3A_662 : vector<8x8x36x256xf32>
    %mul3A_664 = arith.mulf %min3A_663, %min3A_663 : vector<8x8x36x256xf32>
    %reduce_sum3A_665 = arith.constant dense<0.000000e+00> : vector<8x8x256xf32>
    %reduce_sum3A_666 = vector.multi_reduction <add>, %mul3A_664, %reduce_sum3A_665 [2] : vector<8x8x36x256xf32> to vector<8x8x256xf32>
    %broadcast_in_dim3A_667 = vector.shape_cast %reduce_sum3A_666 : vector<8x8x256xf32> to vector<8x8x1x256xf32>
    %add3A_668 = arith.constant 9.99999997E-7 : f32
    %add3A_669 = vector.broadcast %add3A_668 : f32 to vector<8x8x1x256xf32>
    %add3A_670 = arith.addf %broadcast_in_dim3A_667, %add3A_669 : vector<8x8x1x256xf32>
    %rsqrt3A_671 = math.rsqrt %add3A_670 : vector<8x8x1x256xf32>
    %mul3A_672 = vector.broadcast %rsqrt3A_671 : vector<8x8x1x256xf32> to vector<8x8x36x256xf32>
    %mul3A_673 = arith.mulf %min3A_663, %mul3A_672 : vector<8x8x36x256xf32>
    %reshape3A_674 = vector.shape_cast %mul3A_673 : vector<8x8x36x256xf32> to vector<2304x256xf32>
    %mul3A_675 = arith.constant 6.000000e+00 : f32
    %mul3A_676 = vector.broadcast %mul3A_675 : f32 to vector<28x28x256xf32>
    %mul3A_677 = arith.mulf %select_n3A_89, %mul3A_676 : vector<28x28x256xf32>
    %floor3A_678 = math.floor %mul3A_677 : vector<28x28x256xf32>
    %jit3A_679 = arith.constant 0.000000e+00 : f32
    %jit3A_680 = arith.constant 5.000000e+00 : f32
    %max3A_681 = vector.broadcast %jit3A_679 : f32 to vector<28x28x256xf32>
    %max3A_682 = arith.maximumf %max3A_681, %floor3A_678 : vector<28x28x256xf32>
    %min3A_683 = vector.broadcast %jit3A_680 : f32 to vector<28x28x256xf32>
    %min3A_684 = arith.minimumf %min3A_683, %max3A_682 : vector<28x28x256xf32>
    %sub3A_685 = arith.subf %mul3A_677, %min3A_684 : vector<28x28x256xf32>
    %mul3A_686 = arith.mulf %mul3A_44, %sub3A_685 : vector<28x28x256xf32>
    %sub3A_687 = arith.subf %mul3A_44, %mul3A_686 : vector<28x28x256xf32>
    %round3A_688 = math.roundeven %sub3A_687 : vector<28x28x256xf32>
    %convert_element_type3A_689 = arith.fptosi %round3A_688 : vector<28x28x256xf32> to vector<28x28x256xi32>
    %round3A_690 = math.roundeven %mul3A_686 : vector<28x28x256xf32>
    %convert_element_type3A_691 = arith.fptosi %round3A_690 : vector<28x28x256xf32> to vector<28x28x256xi32>
    %ge3A_692 = arith.constant 3.000000e+00 : f32
    %ge3A_693 = vector.broadcast %ge3A_692 : f32 to vector<28x28x256xf32>
    %ge3A_694 = arith.cmpf oge, %min3A_684, %ge3A_693 : vector<28x28x256xf32>
    %sub3A_695 = arith.constant 3.000000e+00 : f32
    %sub3A_696 = vector.broadcast %sub3A_695 : f32 to vector<28x28x256xf32>
    %sub3A_697 = arith.subf %min3A_684, %sub3A_696 : vector<28x28x256xf32>
    %select_n3A_698 = arith.select %ge3A_694, %sub3A_697, %min3A_684 : vector<28x28x256xi1>, vector<28x28x256xf32>
    %mul3A_699 = arith.constant 65536 : i32
    %mul3A_700 = vector.broadcast %mul3A_699 : i32 to vector<28x28x256xi32>
    %mul3A_701 = arith.muli %convert_element_type3A_689, %mul3A_700 : vector<28x28x256xi32>
    %select_n3A_702 = arith.select %ge3A_694, %mul3A_701, %convert_element_type3A_689 : vector<28x28x256xi1>, vector<28x28x256xi32>
    %ge3A_703 = arith.constant 2.000000e+00 : f32
    %ge3A_704 = vector.broadcast %ge3A_703 : f32 to vector<28x28x256xf32>
    %ge3A_705 = arith.cmpf oge, %min3A_684, %ge3A_704 : vector<28x28x256xf32>
    %lt3A_706 = arith.constant 5.000000e+00 : f32
    %lt3A_707 = vector.broadcast %lt3A_706 : f32 to vector<28x28x256xf32>
    %lt3A_708 = arith.cmpf olt, %min3A_684, %lt3A_707 : vector<28x28x256xf32>
    %and3A_709 = arith.andi %ge3A_705, %lt3A_708 : vector<28x28x256xi1>
    %mul3A_710 = arith.constant 65536 : i32
    %mul3A_711 = vector.broadcast %mul3A_710 : i32 to vector<28x28x256xi32>
    %mul3A_712 = arith.muli %convert_element_type3A_691, %mul3A_711 : vector<28x28x256xi32>
    %select_n3A_713 = arith.select %and3A_709, %mul3A_712, %convert_element_type3A_691 : vector<28x28x256xi1>, vector<28x28x256xi32>
    %eq3A_714 = arith.constant 2.000000e+00 : f32
    %eq3A_715 = vector.broadcast %eq3A_714 : f32 to vector<28x28x256xf32>
    %eq3A_716 = arith.cmpf oeq, %select_n3A_698, %eq3A_715 : vector<28x28x256xf32>
    %eq3A_717 = arith.constant 0.000000e+00 : f32
    %eq3A_718 = vector.broadcast %eq3A_717 : f32 to vector<28x28x256xf32>
    %eq3A_719 = arith.cmpf oeq, %select_n3A_698, %eq3A_718 : vector<28x28x256xf32>
    %jit3A_720 = arith.constant 0 : i32
    %broadcast_in_dim3A_721 = vector.broadcast %jit3A_720 : i32 to vector<28x28x256xi32>
    %select_n3A_722 = arith.select %eq3A_716, %select_n3A_713, %broadcast_in_dim3A_721 : vector<28x28x256xi1>, vector<28x28x256xi32>
    %select_n3A_723 = arith.select %eq3A_719, %select_n3A_702, %select_n3A_722 : vector<28x28x256xi1>, vector<28x28x256xi32>
    %reshape3A_724 = vector.shape_cast %select_n3A_723 : vector<28x28x256xi32> to vector<14x2x28x256xi32>
    %slice3A_725 = vector.extract_strided_slice %reshape3A_724 {offsets = [0, 0, 0, 0], sizes = [14, 1, 28, 256], strides = [1, 1, 1, 1]} : vector<14x2x28x256xi32> to vector<14x1x28x256xi32>
    %squeeze3A_726 = vector.shape_cast %slice3A_725 : vector<14x1x28x256xi32> to vector<14x28x256xi32>
    %slice3A_727 = vector.extract_strided_slice %reshape3A_724 {offsets = [0, 1, 0, 0], sizes = [14, 1, 28, 256], strides = [1, 1, 1, 1]} : vector<14x2x28x256xi32> to vector<14x1x28x256xi32>
    %squeeze3A_728 = vector.shape_cast %slice3A_727 : vector<14x1x28x256xi32> to vector<14x28x256xi32>
    %add3A_729 = arith.addi %squeeze3A_726, %squeeze3A_728 : vector<14x28x256xi32>
    %slice3A_730 = vector.extract_strided_slice %add3A_729 {offsets = [0, 1, 0], sizes = [14, 27, 256], strides = [1, 1, 1]} : vector<14x28x256xi32> to vector<14x27x256xi32>
    %slice3A_731 = vector.extract_strided_slice %add3A_729 {offsets = [0, 0, 0], sizes = [14, 1, 256], strides = [1, 1, 1]} : vector<14x28x256xi32> to vector<14x1x256xi32>
    %concatenate3A_732 = tpu.concatenate %slice3A_730, %slice3A_731 in 1 : vector<14x27x256xi32>, vector<14x1x256xi32> -> vector<14x28x256xi32>
    %add3A_733 = arith.addi %add3A_729, %concatenate3A_732 : vector<14x28x256xi32>
    %reshape3A_734 = vector.shape_cast %add3A_733 : vector<14x28x256xi32> to vector<14x14x2x256xi32>
    %slice3A_735 = vector.extract_strided_slice %reshape3A_734 {offsets = [0, 0, 0, 0], sizes = [14, 14, 1, 256], strides = [1, 1, 1, 1]} : vector<14x14x2x256xi32> to vector<14x14x1x256xi32>
    %squeeze3A_736 = vector.shape_cast %slice3A_735 : vector<14x14x1x256xi32> to vector<14x14x256xi32>
    %eq3A_737 = arith.constant 1.000000e+00 : f32
    %eq3A_738 = vector.broadcast %eq3A_737 : f32 to vector<28x28x256xf32>
    %eq3A_739 = arith.cmpf oeq, %select_n3A_698, %eq3A_738 : vector<28x28x256xf32>
    %jit3A_740 = arith.constant 0 : i32
    %broadcast_in_dim3A_741 = vector.broadcast %jit3A_740 : i32 to vector<28x28x256xi32>
    %select_n3A_742 = arith.select %eq3A_719, %select_n3A_713, %broadcast_in_dim3A_741 : vector<28x28x256xi1>, vector<28x28x256xi32>
    %select_n3A_743 = arith.select %eq3A_739, %select_n3A_702, %select_n3A_742 : vector<28x28x256xi1>, vector<28x28x256xi32>
    %reshape3A_744 = vector.shape_cast %select_n3A_743 : vector<28x28x256xi32> to vector<14x2x28x256xi32>
    %slice3A_745 = vector.extract_strided_slice %reshape3A_744 {offsets = [0, 0, 0, 0], sizes = [14, 1, 28, 256], strides = [1, 1, 1, 1]} : vector<14x2x28x256xi32> to vector<14x1x28x256xi32>
    %squeeze3A_746 = vector.shape_cast %slice3A_745 : vector<14x1x28x256xi32> to vector<14x28x256xi32>
    %slice3A_747 = vector.extract_strided_slice %reshape3A_744 {offsets = [0, 1, 0, 0], sizes = [14, 1, 28, 256], strides = [1, 1, 1, 1]} : vector<14x2x28x256xi32> to vector<14x1x28x256xi32>
    %squeeze3A_748 = vector.shape_cast %slice3A_747 : vector<14x1x28x256xi32> to vector<14x28x256xi32>
    %add3A_749 = arith.addi %squeeze3A_746, %squeeze3A_748 : vector<14x28x256xi32>
    %slice3A_750 = vector.extract_strided_slice %add3A_749 {offsets = [0, 1, 0], sizes = [14, 27, 256], strides = [1, 1, 1]} : vector<14x28x256xi32> to vector<14x27x256xi32>
    %slice3A_751 = vector.extract_strided_slice %add3A_749 {offsets = [0, 0, 0], sizes = [14, 1, 256], strides = [1, 1, 1]} : vector<14x28x256xi32> to vector<14x1x256xi32>
    %concatenate3A_752 = tpu.concatenate %slice3A_750, %slice3A_751 in 1 : vector<14x27x256xi32>, vector<14x1x256xi32> -> vector<14x28x256xi32>
    %add3A_753 = arith.addi %add3A_749, %concatenate3A_752 : vector<14x28x256xi32>
    %reshape3A_754 = vector.shape_cast %add3A_753 : vector<14x28x256xi32> to vector<14x14x2x256xi32>
    %slice3A_755 = vector.extract_strided_slice %reshape3A_754 {offsets = [0, 0, 0, 0], sizes = [14, 14, 1, 256], strides = [1, 1, 1, 1]} : vector<14x14x2x256xi32> to vector<14x14x1x256xi32>
    %squeeze3A_756 = vector.shape_cast %slice3A_755 : vector<14x14x1x256xi32> to vector<14x14x256xi32>
    %jit3A_757 = arith.constant 0 : i32
    %broadcast_in_dim3A_758 = vector.broadcast %jit3A_757 : i32 to vector<28x28x256xi32>
    %select_n3A_759 = arith.select %eq3A_739, %select_n3A_713, %broadcast_in_dim3A_758 : vector<28x28x256xi1>, vector<28x28x256xi32>
    %select_n3A_760 = arith.select %eq3A_716, %select_n3A_702, %select_n3A_759 : vector<28x28x256xi1>, vector<28x28x256xi32>
    %reshape3A_761 = vector.shape_cast %select_n3A_760 : vector<28x28x256xi32> to vector<14x2x28x256xi32>
    %slice3A_762 = vector.extract_strided_slice %reshape3A_761 {offsets = [0, 0, 0, 0], sizes = [14, 1, 28, 256], strides = [1, 1, 1, 1]} : vector<14x2x28x256xi32> to vector<14x1x28x256xi32>
    %squeeze3A_763 = vector.shape_cast %slice3A_762 : vector<14x1x28x256xi32> to vector<14x28x256xi32>
    %slice3A_764 = vector.extract_strided_slice %reshape3A_761 {offsets = [0, 1, 0, 0], sizes = [14, 1, 28, 256], strides = [1, 1, 1, 1]} : vector<14x2x28x256xi32> to vector<14x1x28x256xi32>
    %squeeze3A_765 = vector.shape_cast %slice3A_764 : vector<14x1x28x256xi32> to vector<14x28x256xi32>
    %add3A_766 = arith.addi %squeeze3A_763, %squeeze3A_765 : vector<14x28x256xi32>
    %slice3A_767 = vector.extract_strided_slice %add3A_766 {offsets = [0, 1, 0], sizes = [14, 27, 256], strides = [1, 1, 1]} : vector<14x28x256xi32> to vector<14x27x256xi32>
    %slice3A_768 = vector.extract_strided_slice %add3A_766 {offsets = [0, 0, 0], sizes = [14, 1, 256], strides = [1, 1, 1]} : vector<14x28x256xi32> to vector<14x1x256xi32>
    %concatenate3A_769 = tpu.concatenate %slice3A_767, %slice3A_768 in 1 : vector<14x27x256xi32>, vector<14x1x256xi32> -> vector<14x28x256xi32>
    %add3A_770 = arith.addi %add3A_766, %concatenate3A_769 : vector<14x28x256xi32>
    %reshape3A_771 = vector.shape_cast %add3A_770 : vector<14x28x256xi32> to vector<14x14x2x256xi32>
    %slice3A_772 = vector.extract_strided_slice %reshape3A_771 {offsets = [0, 0, 0, 0], sizes = [14, 14, 1, 256], strides = [1, 1, 1, 1]} : vector<14x14x2x256xi32> to vector<14x14x1x256xi32>
    %squeeze3A_773 = vector.shape_cast %slice3A_772 : vector<14x14x1x256xi32> to vector<14x14x256xi32>
    %stack3A_774 = vector.shape_cast %squeeze3A_736 : vector<14x14x256xi32> to vector<14x14x1x256xi32>
    %stack3A_775 = vector.shape_cast %squeeze3A_756 : vector<14x14x256xi32> to vector<14x14x1x256xi32>
    %stack3A_776 = vector.shape_cast %squeeze3A_773 : vector<14x14x256xi32> to vector<14x14x1x256xi32>
    %stack3A_777 = tpu.concatenate %stack3A_774, %stack3A_775, %stack3A_776 in 2 : vector<14x14x1x256xi32>, vector<14x14x1x256xi32>, vector<14x14x1x256xi32> -> vector<14x14x3x256xi32>
    %and3A_778 = arith.constant 65535 : i32
    %and3A_779 = vector.broadcast %and3A_778 : i32 to vector<14x14x3x256xi32>
    %and3A_780 = arith.andi %stack3A_777, %and3A_779 : vector<14x14x3x256xi32>
    %convert_element_type3A_781 = arith.sitofp %and3A_780 : vector<14x14x3x256xi32> to vector<14x14x3x256xf32>
    %mul3A_782 = arith.constant 6.91562949E-4 : f32
    %mul3A_783 = vector.broadcast %mul3A_782 : f32 to vector<14x14x3x256xf32>
    %mul3A_784 = arith.mulf %convert_element_type3A_781, %mul3A_783 : vector<14x14x3x256xf32>
    %shift_right_arithmetic3A_785 = arith.constant 16 : i32
    %shift_right_arithmetic3A_786 = vector.broadcast %shift_right_arithmetic3A_785 : i32 to vector<14x14x3x256xi32>
    %shift_right_arithmetic3A_787 = arith.shrsi %stack3A_777, %shift_right_arithmetic3A_786 : vector<14x14x3x256xi32>
    %convert_element_type3A_788 = arith.sitofp %shift_right_arithmetic3A_787 : vector<14x14x3x256xi32> to vector<14x14x3x256xf32>
    %mul3A_789 = arith.constant 6.91562949E-4 : f32
    %mul3A_790 = vector.broadcast %mul3A_789 : f32 to vector<14x14x3x256xf32>
    %mul3A_791 = arith.mulf %convert_element_type3A_788, %mul3A_790 : vector<14x14x3x256xf32>
    %concatenate3A_792 = tpu.concatenate %mul3A_784, %mul3A_791 in 2 : vector<14x14x3x256xf32>, vector<14x14x3x256xf32> -> vector<14x14x6x256xf32>
    %mul3A_793 = arith.mulf %concatenate3A_792, %concatenate3A_792 : vector<14x14x6x256xf32>
    %reduce_sum3A_794 = arith.constant dense<0.000000e+00> : vector<14x14x256xf32>
    %reduce_sum3A_795 = vector.multi_reduction <add>, %mul3A_793, %reduce_sum3A_794 [2] : vector<14x14x6x256xf32> to vector<14x14x256xf32>
    %broadcast_in_dim3A_796 = vector.shape_cast %reduce_sum3A_795 : vector<14x14x256xf32> to vector<14x14x1x256xf32>
    %slice3A_797 = vector.extract_strided_slice %broadcast_in_dim3A_796 {offsets = [0, 0, 0, 0], sizes = [13, 13, 1, 256], strides = [1, 1, 1, 1]} : vector<14x14x1x256xf32> to vector<13x13x1x256xf32>
    %slice3A_798 = vector.extract_strided_slice %broadcast_in_dim3A_796 {offsets = [0, 1, 0, 0], sizes = [13, 13, 1, 256], strides = [1, 1, 1, 1]} : vector<14x14x1x256xf32> to vector<13x13x1x256xf32>
    %add3A_799 = arith.addf %slice3A_797, %slice3A_798 : vector<13x13x1x256xf32>
    %slice3A_800 = vector.extract_strided_slice %broadcast_in_dim3A_796 {offsets = [1, 0, 0, 0], sizes = [13, 13, 1, 256], strides = [1, 1, 1, 1]} : vector<14x14x1x256xf32> to vector<13x13x1x256xf32>
    %add3A_801 = arith.addf %add3A_799, %slice3A_800 : vector<13x13x1x256xf32>
    %slice3A_802 = vector.extract_strided_slice %broadcast_in_dim3A_796 {offsets = [1, 1, 0, 0], sizes = [13, 13, 1, 256], strides = [1, 1, 1, 1]} : vector<14x14x1x256xf32> to vector<13x13x1x256xf32>
    %add3A_803 = arith.addf %add3A_801, %slice3A_802 : vector<13x13x1x256xf32>
    %slice3A_804 = vector.extract_strided_slice %concatenate3A_792 {offsets = [0, 0, 0, 0], sizes = [13, 13, 6, 256], strides = [1, 1, 1, 1]} : vector<14x14x6x256xf32> to vector<13x13x6x256xf32>
    %slice3A_805 = vector.extract_strided_slice %concatenate3A_792 {offsets = [0, 1, 0, 0], sizes = [13, 13, 6, 256], strides = [1, 1, 1, 1]} : vector<14x14x6x256xf32> to vector<13x13x6x256xf32>
    %slice3A_806 = vector.extract_strided_slice %concatenate3A_792 {offsets = [1, 0, 0, 0], sizes = [13, 13, 6, 256], strides = [1, 1, 1, 1]} : vector<14x14x6x256xf32> to vector<13x13x6x256xf32>
    %slice3A_807 = vector.extract_strided_slice %concatenate3A_792 {offsets = [1, 1, 0, 0], sizes = [13, 13, 6, 256], strides = [1, 1, 1, 1]} : vector<14x14x6x256xf32> to vector<13x13x6x256xf32>
    %concatenate3A_808 = tpu.concatenate %slice3A_804, %slice3A_805, %slice3A_806, %slice3A_807 in 2 : vector<13x13x6x256xf32>, vector<13x13x6x256xf32>, vector<13x13x6x256xf32>, vector<13x13x6x256xf32> -> vector<13x13x24x256xf32>
    %add3A_809 = arith.constant 9.99999997E-7 : f32
    %add3A_810 = vector.broadcast %add3A_809 : f32 to vector<13x13x1x256xf32>
    %add3A_811 = arith.addf %add3A_803, %add3A_810 : vector<13x13x1x256xf32>
    %rsqrt3A_812 = math.rsqrt %add3A_811 : vector<13x13x1x256xf32>
    %mul3A_813 = vector.broadcast %rsqrt3A_812 : vector<13x13x1x256xf32> to vector<13x13x24x256xf32>
    %mul3A_814 = arith.mulf %concatenate3A_808, %mul3A_813 : vector<13x13x24x256xf32>
    %min3A_815 = arith.constant 2.000000e-01 : f32
    %min3A_816 = vector.broadcast %min3A_815 : f32 to vector<13x13x24x256xf32>
    %min3A_817 = arith.minimumf %mul3A_814, %min3A_816 : vector<13x13x24x256xf32>
    %mul3A_818 = arith.mulf %min3A_817, %min3A_817 : vector<13x13x24x256xf32>
    %reduce_sum3A_819 = arith.constant dense<0.000000e+00> : vector<13x13x256xf32>
    %reduce_sum3A_820 = vector.multi_reduction <add>, %mul3A_818, %reduce_sum3A_819 [2] : vector<13x13x24x256xf32> to vector<13x13x256xf32>
    %broadcast_in_dim3A_821 = vector.shape_cast %reduce_sum3A_820 : vector<13x13x256xf32> to vector<13x13x1x256xf32>
    %add3A_822 = arith.constant 9.99999997E-7 : f32
    %add3A_823 = vector.broadcast %add3A_822 : f32 to vector<13x13x1x256xf32>
    %add3A_824 = arith.addf %broadcast_in_dim3A_821, %add3A_823 : vector<13x13x1x256xf32>
    %rsqrt3A_825 = math.rsqrt %add3A_824 : vector<13x13x1x256xf32>
    %mul3A_826 = vector.broadcast %rsqrt3A_825 : vector<13x13x1x256xf32> to vector<13x13x24x256xf32>
    %mul3A_827 = arith.mulf %min3A_817, %mul3A_826 : vector<13x13x24x256xf32>
    %reshape3A_828 = vector.shape_cast %mul3A_827 : vector<13x13x24x256xf32> to vector<4056x256xf32>
    %concatenate3A_829 = tpu.concatenate %reshape3A, %reshape3A_307, %reshape3A_674, %reshape3A_828 in 0 : vector<784x256xf32>, vector<1152x256xf32>, vector<2304x256xf32>, vector<4056x256xf32> -> vector<8296x256xf32>
    %transpose3A = tpu.transpose %concatenate3A_829, [1, 0] : vector<8296x256xf32> -> vector<256x8296xf32>
    %swap3A = arith.constant 0 : index
    %swap3A_830 = arith.constant 0 : index
    %swap3A_831 = vector.load %arg2[%swap3A, %swap3A_830] : memref<256x8296xf32, #tpu.memory_space<vmem>>, vector<256x8296xf32>
    tpu.vector_store %arg2[%swap3A, %swap3A_830], %transpose3A {strides = array<i32>} : memref<256x8296xf32, #tpu.memory_space<vmem>>, vector<256x8296xf32>,
    return
  }
  func.func @transform_0(%arg0: i32) -> (i32, i32, i32) {
    %c0_i32 = arith.constant 0 : i32
    %c0_i32_0 = arith.constant 0 : i32
    %c0_i32_1 = arith.constant 0 : i32
    return %c0_i32, %c0_i32_0, %arg0 : i32, i32, i32
  }
  func.func @transform_1(%arg0: i32) -> (i32, i32) {
    %c0_i32 = arith.constant 0 : i32
    %c0_i32_0 = arith.constant 0 : i32
    return %arg0, %c0_i32 : i32, i32
  }
}

</mosaic_0001>

<sc_bundles>
// kernel: sparse-core-data-format-call.cloned.1.call-start
scs
called_computation_lowered:
.L_overlay_start_0:
0x0: {  	s2 =	sld [smem:$0x3FD9]  }
0x1: {  	s3 =	sld [smem:$0x3FFE];
	_ =	sdelay $0x1  }
0x2: {  	s1 =	srdreg.scid  }
0x3: {  	s0 =	sand.u32 $0x1, s1  }
0x4: {  	s18 =	sshll.u32 s0, $0xA;
	s2 =	sadd.s32 s3, s2  }
0x5: {  	s2 =	sadd.s32 s2, s18  }
0x6: {  	[smem:$0x3FC7] =	sst s2  }
0x7: {  	_ = 	snop  }
0x8: {  	s2 =	sld [smem:$0x3FC9];
	(tm) =	ssettm $0x1  }
0x9: {  	s19 =	sld [smem:$0x3FFB];
	_ =	sdelay $0x3  }
0xa: {  	_ =	strace s19  }
0xb: {  	s3 =	sld [smem:$0x3FFC];
	_ =	sdelay $0x3  }
0xc: {  	_ =	strace s3  }
0xd: {  	s3 =	sld [smem:$0x3FFD];
	_ =	sdelay $0x3  }
0xe: {  	_ =	strace s3  }
0xf: {  	_ =	strace $0x8FFFFFFF  }
0x10: {  	s20 =	sld [smem:$0x3FDB];
	_ =	sdelay $0x1  }
0x11: {  	s4 =	simm.s32 $_scs_section_size  }
0x12: {  	s5 =	simm.s32 $_size__tile_overlayer_lowered;
	s6 =	simm.s32 $_tile_overlayer_lowered  }
0x13: {  	s23 =	simm.s32 $0x1BFF;
	s22 =	sshll.u32 s6, $0x1;
	s3 =	sadd.s32 s4, s20  }
0x14: {  	s7 =	simm.s32 $0x0;
	s21 =	sshll.u32 s5, $0x1;
	s5 =	sadd.s32 s22, s3  }
0x15: {  	[timem:s7], [sflag:s23] =	dma.local [hbm:s5], s21  }
0x16: {  	_ =	swait.ge [sflag:s23], s21  }
0x17: {  	s4 =	ssub.s32 $0x0, s21;
	[sflag:s23] =	ssyncset.done $0x0  }
0x18: {  	[sflag:s23] =	ssyncadd.s32 s4;
	_ =	sdelay $0x1  }
0x19: {  	s24 =	simm.s32 $0x1B8B  }
0x1a: {  	_ =	swait.ge [sflag:s24], $0x1  }
0x1b: {  	[sflag:s24] =	ssyncset.done $0x0  }
0x1c: {  	s26 =	simm.s32 $0x1B8E;
	s25 =	sld [smem:$0x3FFE];
	[sflag:s24] =	ssyncadd.s32 $0xFFFFFFFF  }
0x1d: {  	s27 =	simm.s32 $execute0_lowered;
	[smem:$0x3FD2] =	sst s26  }
0x1e: {  	s5 =	sshll.u32 s27, $0x1;
	_ =	strace $0x80000046;
	[dreg:$0x1] =	wrdreg $0xFFFFFFFF  }
0x1f: {  	s28 =	simm.s32 $_size_execute0_lowered;
	s3 =	sadd.s32 s3, s5;
	[dreg:$0x0] =	wrdreg $0x0  }
0x20: {  	s5 =	sshll.u32 s28, $0x1;
	[dreg:$0x2] =	wrdreg s3  }
0x21: {  	[dreg:$0x3] =	wrdreg s5  }
0x22: {  	[dreg:$0x4] =	wrdreg $0xC0  }
0x23: {  	_ =	task [dreg:s7], $0x5FFFF  }
0x24: {  	[dreg:$0x1] =	wrdreg $0xFFFFFFFF  }
0x25: {  	[dreg:$0x0] =	wrdreg $0x60  }
0x26: {  	[dreg:$0x2] =	wrdreg s2  }
0x27: {  	[dreg:$0x3] =	wrdreg s25  }
0x28: {  	[dreg:$0x4] =	wrdreg $0x9  }
0x29: {  	_ =	task.clear_ibuf [dreg:s7], $0x5FFFF;
	_ =	strace $0x90000046  }
0x2a: {  	s29 =	simm.s32 $0x9;
	_ =	strace $0x80000048  }
0x2b: {  	_ =	swait.ge [sflag:s29], $0x1  }
0x2c: {  	[sflag:s29] =	ssyncadd.s32 $0xFFFFFFFF  }
0x2d: {  	_ =	strace $0x90000048  }
0x2e: {  	_ =	sfence  }
0x2f: {  	s30 =	sld [smem:$0x0];
	_ =	sdelay $0x2  }
0x30: {  	s31 =	sshll.u32 s1, $0xD;
	s1 =	sshrl.u32 s1, $0x2  }
0x31: {  	s3 =	sand.u32 $0x4000, s31;
	s1 =	sadd.s32 s1, s30  }
0x32: {  	s0 =	sor.u32 s3, s0;
	s1 =	sshll.u32 s1, $0x11  }
0x33: {  	s0 =	sor.u32 s1, s0  }
0x34: {  	s0 =	sadd.s32 $0x8F2B, s0  }
0x35: {  	[sflag:s0] =	ssyncadd.remote.s32 $0x1  }
0x36: {  	_ =	sfence.sel $0xFFFF  }
0x37: {  	[dreg:$0x0] =	wrdreg $0xFFFFFFFF;
	(pc) =	sbr.abs _section_cstart, $3  }
0x38: {  	[dreg:$0x1] =	wrdreg $0xFFFFFFFF  }
0x39: {  	_ =	task.clear_ibuf [dreg:s7], $0x2FFFF;
	_ =	strace $0x9FFFFFFF  }
0x3a: {  	(tm) =	ssettm $0x7FFFFFFF  }
0x3b: {  	_ =	shalt  }
tec
execute0_lowered:
.L_overlay_start_1:
0x0: {  	(tag) =	ssettag $0x1  }
0x1: {  	s8 =	rddreg [dreg:$0x0];
	s0 =	stileid.u32  }
0x2: {  	s1 =	srdreg.scid;
	s3 =	rddreg [dreg:$0x1];
	s5 =	simm.s32 $0x1  }
0x3: {  	s9 =	simm.s32 $0x2;
	s11 =	simm.s32 $0x0;
	s14 =	simm.s32 $0x0  }
0x4: {  	s16 =	simm.s32 $0x0;
	s2 =	sshll.u32 s0, $0x9;
	s4 =	sshll.u32 s1, $0xD  }
0x5: {  	s15 =	simm.s32 $0x0;
	s12 =	simm.s32 $0x0;
	s2 =	sor.u32 s2, s4  }
0x6: {  	s13 =	simm.s32 $0x0;
	s1 =	rddreg [dreg:$0x2];
	s2 =	sand.u32 $0x3800, s2  }
0x7: {  	_ =	strace $0x80000047;
	s29 =	sshll.u32 s0, $0x3;
	s6 =	ssub.s32 $0x4000, s2  }
0x8: {  	s3 =	sadd.s32 $0x400, s3;
	s4 =	sand.u32 $0x18, s29;
	s7 =	sand.u32 $0x3800, s6  }
0x9: {  	[sflag:s5] =	ssyncpa.u1 $0x0;
	p0 =	sne.s32 s7, $0x0;
	s7 =	simm.s32 $0x1  }
.Ltmp0:
0xa: {  	s6 =	sshrl.u32 s6, $0xE;
	s7 =	simm.s32 @!p0 $0x0;
	(pc) =	sbr.rel .LBB1_1-.Ltmp0, $4  }
0xb: {  	s30 =	smax.u32 s4, $0x14;
	s31 =	sshll.u32 s4, $0xB;
	s6 =	sadd.s32 s7, s6  }
0xc: {  	s10 =	sshrl.u32 s2, $0x3;
	s8 =	sadd.s32 s8, s31;
	s6 =	smul.u32 $0x1C, s6  }
0xd: {  	[sflag:s9] =	ssyncpa.u1 $0x0;
	s8 =	sadd.s32 s10, s8;
	s7 =	sshll.u32 s30, $0xB  }
0xe: {  	s10 =	simm.s32 $0x0;
	s7 =	sxor.u32 $0xE000, s7;
	s9 =	sor.u32 $0x1, s6  }
.LBB1_7:
0xf: {  	s17 =	sadd.s32 $0x1, s12  }
0x10: {  	p1 =	sgt.s32 s17, $0x1B  }
0x11: {  	s17 =	simm.s32 @p1 $0x0;
	p1 =	sne.s32 s13, s9  }
.Ltmp1:
0x12: {  	p0 =	slt.u32 s13, $0x2;
	(pc) =	sbr.rel @!p1 .LBB1_8-.Ltmp1, $4  }
0x13: {  	s18 =	sadd.s32 $0x1, s13;
	s14 =	simm.s32 @!p0 $0x2  }
0x14: {  	s15 =	smov.u32 s12;
	s11 =	sadd.s32 $0x4000, s11;
	_ =	swait.ge @!p0 [sflag:s14], $0x4000  }
0x15: {  	s16 =	smov.u32 s4;
	s13 =	smov.u32 s18;
	[sflag:s14] =	ssyncset.done @!p0 $0x0  }
0x16: {  	s12 =	smov.u32 s17;
	[sflag:s14] =	ssyncadd.s32 @!p0 $0xFFFFC000;
	s14 =	smov.u32 s2  }
.LBB1_1:
0x17: {  	p0 =	sge.u32 s13, s6  }
0x18: {  	p1 =	sgt.s32 @!p0 s12, $0x1B  }
0x19: {  	s17 =	smov.u32 s12;
	s18 =	sshra.s32 @!p0 s12, $0x1F;
	p1 =	por !p1, p0  }
0x1a: {  	s18 =	sand.u32 @!p0 s18, s12;
	s17 =	simm.s32 @p1 $0x1B  }
0x1b: {  	s17 =	ssub.s32 @!p0 s17, s18  }
0x1c: {  	s18 =	sadd.s32 @!p0 $0xFFFFFFE5, s17  }
0x1d: {  	p1 =	sgt.s32 @!p0 s18, $0x0  }
0x1e: {  	s17 =	ssub.s32 @!p0 $0x1C, s17;
	p1 =	por !p1, p0  }
0x1f: {  	s19 =	smul.u32 @!p0 $0xE000, s12;
	s17 =	simm.s32 @!p1 $0x0  }
0x20: {  	s31 =	sadd.s32 $0xFFFFFFFF, s13;
	s18 =	sxor.u32 @!p0 $0xFFFFFFFF, s13;
	s17 =	smul.u32 @!p0 s17, s7  }
0x21: {  	s20 =	simm.s32 @!p0 $0x800;
	s21 =	simm.s32 @!p0 $0x4000;
	s18 =	sshll.u32 @!p0 s18, $0xE  }
0x22: {  	s19 =	sadd.s32 @!p0 s19, s8;
	s18 =	sand.u32 @!p0 $0x4000, s18;
	s17 =	sand.u32 @!p0 $0x3FFFE000, s17  }
0x23: {  	[tilespmem:s18], [sflag:$0x1] =	stream.strided.gather @!p0 [hbm4b:s19+s20], s17, s21, s20, $0x38;
	[tilespmem:$0x10000] =	vst v63  }
0x24: {  	p0 =	sge.u32 s31, s6  }
.Ltmp2:
0x25: {  	_ = 	snop;
	(pc) =	sbr.rel @p0 .LBB1_7-.Ltmp2, $1  }
0x26: {  	_ =	sdelay $0x3  }
0x27: {  	p0 =	sgt.s32 s15, $0x1B;
	s17 =	smov.u32 s15;
	s18 =	sshra.s32 s15, $0x1F  }
0x28: {  	s17 =	simm.s32 @!p0 $0x1B;
	s18 =	sand.u32 s18, s15  }
0x29: {  	p0 =	sgt.s32 s16, $0x14;
	s17 =	ssub.s32 s17, s18;
	s18 =	smov.u32 s16  }
0x2a: {  	s19 =	sadd.s32 $0xFFFFFFE5, s17;
	s18 =	simm.s32 @!p0 $0x14  }
0x2b: {  	s17 =	ssub.s32 $0x1C, s17;
	p0 =	sgt.s32 s19, $0x0;
	s18 =	sshll.u32 s18, $0xB  }
0x2c: {  	s17 =	simm.s32 @p0 $0x0;
	s18 =	ssub.s32 $0xE000, s18  }
0x2d: {  	s18 =	smul.u32 s17, s18  }
0x2e: {  	s31 =	sshll.u32 s13, $0xE  }
0x2f: {  	s19 =	sand.u32 $0x4000, s31;
	s20 =	sand.u32 $0x3FFFF800, s18  }
0x30: {  	s30 =	sand.u32 $0x4000, s11;
	s19 =	sor.u32 $0x8000, s19;
	_ =	swait.ge [sflag:s5], s20  }
0x31: {  	s17 =	sor.u32 $0x100, s30;
	s20 =	ssub.s32 $0x0, s20;
	[sflag:s5] =	ssyncset.done $0x0  }
0x32: {  	s18 =	sor.u32 $0x8800, s30;
	[sflag:s5] =	ssyncadd.s32 s20;
	s20 =	simm.s32 $0x0  }
.LBB1_3:
0x33: {  	v0 =	vld [tilespmem:s17+$0xF0]  }
0x34: {  	v1 =	vld [tilespmem:s17+$0xFFFFFF10]  }
0x35: {  	v2 =	vld [tilespmem:s17+$0xFFFFFF20]  }
0x36: {  	v3 =	vld [tilespmem:s17+$0xFFFFFF30]  }
0x37: {  	v4 =	vld [tilespmem:s17+$0xFFFFFF40]  }
0x38: {  	v5 =	vld [tilespmem:s17+$0xFFFFFF50];
	[tilespmem:s18+$0x470] =	vst v0  }
0x39: {  	[tilespmem:s18+$0xFFFFF810] =	vst v1;
	v0 =	vld [tilespmem:s17+$0xFFFFFF60]  }
0x3a: {  	[tilespmem:s18+$0xFFFFF820] =	vst v2;
	v1 =	vld [tilespmem:s17+$0xFFFFFF70]  }
0x3b: {  	[tilespmem:s18+$0xFFFFF830] =	vst v3;
	v2 =	vld [tilespmem:s17+$0xFFFFFF80]  }
0x3c: {  	[tilespmem:s18+$0xFFFFF840] =	vst v4;
	v3 =	vld [tilespmem:s17+$0xFFFFFF90]  }
0x3d: {  	[tilespmem:s18+$0xFFFFF850] =	vst v5;
	v4 =	vld [tilespmem:s17+$0xFFFFFFA0]  }
0x3e: {  	v5 =	vld [tilespmem:s17+$0xA0];
	[tilespmem:s18+$0xFFFFF860] =	vst v0  }
0x3f: {  	v0 =	vld [tilespmem:s17+$0xFFFFFFB0];
	[tilespmem:s18+$0xFFFFF870] =	vst v1  }
0x40: {  	v1 =	vld [tilespmem:s17+$0xFFFFFFC0];
	[tilespmem:s18+$0xFFFFFC00] =	vst v2  }
0x41: {  	[tilespmem:s18+$0xFFFFFC10] =	vst v3;
	v3 =	vld [tilespmem:s17+$0xFFFFFFE0]  }
0x42: {  	[tilespmem:s18+$0xFFFFFC20] =	vst v4;
	v4 =	vld [tilespmem:s17+$0xFFFFFFF0]  }
0x43: {  	v2 =	vld [tilespmem:s17+$0xFFFFFFD0];
	[tilespmem:s18+$0x420] =	vst v5  }
0x44: {  	[tilespmem:s18+$0xFFFFFC30] =	vst v0;
	v0 =	vld [tilespmem:s17+$0x0]  }
0x45: {  	[tilespmem:s18+$0xFFFFFC40] =	vst v1;
	v1 =	vld [tilespmem:s17+$0x10]  }
0x46: {  	[tilespmem:s18+$0xFFFFFC60] =	vst v3;
	v3 =	vld [tilespmem:s17+$0x30]  }
0x47: {  	[tilespmem:s18+$0xFFFFFC70] =	vst v4;
	v4 =	vld [tilespmem:s17+$0x40]  }
0x48: {  	[tilespmem:s18+$0xFFFFFC50] =	vst v2;
	v2 =	vld [tilespmem:s17+$0x20]  }
0x49: {  	[tilespmem:s18+$0x0] =	vst v0;
	v0 =	vld [tilespmem:s17+$0x50]  }
0x4a: {  	[tilespmem:s18+$0x10] =	vst v1;
	v1 =	vld [tilespmem:s17+$0x60]  }
0x4b: {  	[tilespmem:s18+$0x30] =	vst v3;
	v3 =	vld [tilespmem:s17+$0x80]  }
0x4c: {  	[tilespmem:s18+$0x40] =	vst v4;
	v4 =	vld [tilespmem:s17+$0x90]  }
0x4d: {  	[tilespmem:s18+$0x20] =	vst v2;
	v2 =	vld [tilespmem:s17+$0x70]  }
0x4e: {  	[tilespmem:s18+$0x50] =	vst v0;
	v0 =	vld [tilespmem:s17+$0xB0]  }
0x4f: {  	[tilespmem:s18+$0x60] =	vst v1;
	v1 =	vld [tilespmem:s17+$0xC0]  }
0x50: {  	[tilespmem:s18+$0x400] =	vst v3;
	v3 =	vld [tilespmem:s17+$0xD0]  }
0x51: {  	[tilespmem:s18+$0x410] =	vst v4;
	v4 =	vld [tilespmem:s17+$0xE0]  }
0x52: {  	s22 =	simm.s32 $0x0;
	s23 =	sadd.s32 $0x200, s17;
	s21 =	smov.u32 s18;
	[tilespmem:s18+$0x70] =	vst v2;
	v2 =	vld [tilespmem:s17+$0xFFFFFF00]  }
.LBB1_4:
0x53: {  	v5 =	vld [tilespmem:s23+$0xF0];
	s22 =	sadd.s32 $0x200, s22;
	[tilespmem:s21+$0x430] =	vst v0  }
0x54: {  	v0 =	vld [tilespmem:s23+$0xFFFFFF10];
	p0 =	slt.u32 s22, $0x600;
	[tilespmem:s21+$0x440] =	vst v1  }
0x55: {  	v1 =	vld [tilespmem:s23+$0xFFFFFF20];
	[tilespmem:s21+$0x450] =	vst v3  }
0x56: {  	v3 =	vld [tilespmem:s23+$0xFFFFFF30];
	[tilespmem:s21+$0x460] =	vst v4  }
0x57: {  	v4 =	vld [tilespmem:s23+$0xFFFFFF40];
	[tilespmem:s21+$0xFFFFF800] =	vst v2;
	s21 =	sadd.s32 $0x1000, s21  }
0x58: {  	v2 =	vld [tilespmem:s23+$0xFFFFFF50];
	[tilespmem:s21+$0x470] =	vst v5  }
0x59: {  	[tilespmem:s21+$0xFFFFF810] =	vst v0;
	v0 =	vld [tilespmem:s23+$0xFFFFFF60]  }
0x5a: {  	[tilespmem:s21+$0xFFFFF820] =	vst v1;
	v1 =	vld [tilespmem:s23+$0xFFFFFF70]  }
0x5b: {  	[tilespmem:s21+$0xFFFFF830] =	vst v3;
	v3 =	vld [tilespmem:s23+$0xFFFFFF80]  }
0x5c: {  	[tilespmem:s21+$0xFFFFF840] =	vst v4;
	v4 =	vld [tilespmem:s23+$0xFFFFFF90]  }
0x5d: {  	[tilespmem:s21+$0xFFFFF850] =	vst v2;
	v2 =	vld [tilespmem:s23+$0xFFFFFFA0]  }
0x5e: {  	[tilespmem:s21+$0xFFFFF860] =	vst v0;
	v0 =	vld [tilespmem:s23+$0xFFFFFFB0]  }
0x5f: {  	[tilespmem:s21+$0xFFFFF870] =	vst v1;
	v1 =	vld [tilespmem:s23+$0xFFFFFFC0]  }
0x60: {  	[tilespmem:s21+$0xFFFFFC00] =	vst v3;
	v3 =	vld [tilespmem:s23+$0xFFFFFFD0]  }
0x61: {  	[tilespmem:s21+$0xFFFFFC10] =	vst v4;
	v4 =	vld [tilespmem:s23+$0xFFFFFFE0]  }
0x62: {  	[tilespmem:s21+$0xFFFFFC20] =	vst v2;
	v2 =	vld [tilespmem:s23+$0xFFFFFFF0]  }
0x63: {  	[tilespmem:s21+$0xFFFFFC30] =	vst v0;
	v0 =	vld [tilespmem:s23+$0x0]  }
0x64: {  	[tilespmem:s21+$0xFFFFFC40] =	vst v1;
	v1 =	vld [tilespmem:s23+$0x10]  }
0x65: {  	[tilespmem:s21+$0xFFFFFC50] =	vst v3;
	v3 =	vld [tilespmem:s23+$0x20]  }
0x66: {  	[tilespmem:s21+$0xFFFFFC60] =	vst v4;
	v4 =	vld [tilespmem:s23+$0x30]  }
0x67: {  	[tilespmem:s21+$0xFFFFFC70] =	vst v2;
	v2 =	vld [tilespmem:s23+$0x40]  }
0x68: {  	[tilespmem:s21+$0x0] =	vst v0;
	v0 =	vld [tilespmem:s23+$0x50]  }
0x69: {  	[tilespmem:s21+$0x10] =	vst v1;
	v1 =	vld [tilespmem:s23+$0x60]  }
0x6a: {  	[tilespmem:s21+$0x20] =	vst v3;
	v3 =	vld [tilespmem:s23+$0x70]  }
0x6b: {  	[tilespmem:s21+$0x30] =	vst v4;
	v4 =	vld [tilespmem:s23+$0x80]  }
0x6c: {  	[tilespmem:s21+$0x40] =	vst v2;
	v2 =	vld [tilespmem:s23+$0x90]  }
0x6d: {  	[tilespmem:s21+$0x50] =	vst v0;
	v5 =	vld [tilespmem:s23+$0xA0]  }
.Ltmp3:
0x6e: {  	[tilespmem:s21+$0x60] =	vst v1;
	v0 =	vld [tilespmem:s23+$0xB0];
	(pc) =	sbr.rel @p0 .LBB1_4-.Ltmp3, $4  }
0x6f: {  	[tilespmem:s21+$0x70] =	vst v3;
	v1 =	vld [tilespmem:s23+$0xC0]  }
0x70: {  	[tilespmem:s21+$0x400] =	vst v4;
	v3 =	vld [tilespmem:s23+$0xD0]  }
0x71: {  	[tilespmem:s21+$0x410] =	vst v2;
	v4 =	vld [tilespmem:s23+$0xE0]  }
0x72: {  	v2 =	vld [tilespmem:s23+$0xFFFFFF00];
	[tilespmem:s21+$0x420] =	vst v5;
	s23 =	sadd.s32 $0x200, s23  }
0x73: {  	s20 =	sadd.s32 $0x1, s20  }
0x74: {  	p0 =	sne.s32 s20, $0x8  }
.Ltmp4:
0x75: {  	[tilespmem:s21+$0x430] =	vst v0;
	(pc) =	sbr.rel @p0 .LBB1_3-.Ltmp4, $4  }
0x76: {  	[tilespmem:s21+$0x440] =	vst v1  }
0x77: {  	[tilespmem:s21+$0x450] =	vst v3  }
0x78: {  	[tilespmem:s21+$0x460] =	vst v4  }
0x79: {  	s17 =	sadd.s32 $0x800, s17;
	s18 =	sadd.s32 $0x80, s18;
	[tilespmem:s21+$0xFFFFF800] =	vst v2  }
.Ltmp5:
0x7a: {  	s15 =	sshll.u32 s15, $0x10;
	(pc) =	sbr.rel .LBB1_7-.Ltmp5, $4  }
0x7b: {  	s15 =	sadd.s32 s3, s15  }
0x7c: {  	s16 =	sshll.u32 s16, $0xB;
	s14 =	sadd.s32 s14, s15  }
0x7d: {  	s14 =	sadd.s32 s16, s14  }
0x7e: {  	[hbm4b:s14+s10] =	stream.linear.scatter [tilespmem:s19], [sflag:$0x2], $0x4000, $0x38;
	[tilespmem:$0x10000] =	vst v63  }
.LBB1_8:
0x7f: {  	_ =	sfence.sel $0x180000  }
0x80: {  	s2 =	simm.s32 $0x1;
	[bflag:$0x0] =	sbarrier.arrive $0xFFFF  }
0x81: {  	s31 =	simm.s32 $0x2;
	[sflag:s2] =	ssyncpa.u1 $0x1  }
0x82: {  	[sflag:s31] =	ssyncpa.u1 $0x1  }
0x83: {  	p0 =	sne.s32 s0, $0x0;
	_ =	strace $0x90000047  }
0x84: {  	s0 =	sadd.s32 @!p0 $0x100000, s1;
	[bflag:$0x2] =	sbarrier.arrive $0xFFFF  }
0x85: {  	[sflag:s0] =	ssyncadd.tile.s32 @!p0 $0x1;
	_ =	shalt  }
.Lfunc_end1:
_tile_overlayer_lowered:
.L_overlay_start_2:
0x86: {  	(tag) =	ssettag $0x2  }
0x87: {  	s0 =	rddreg [dreg:$0x0];
	s2 =	stileid.u32  }
0x88: {  	s1 =	rddreg [dreg:$0x1];
	p0 =	sne.s32 s2, $0x0  }
0x89: {  	s3 =	rddreg [dreg:$0x2];
	[bflag:$0x3] =	sbarrier.arrive $0xFFFF;
	s2 =	simm.s32 @!p0 $0x1C01  }
0x8a: {  	[timem:s3], [sflag:s2] =	dma.local @!p0 [hbm:s0], s1  }
0x8b: {  	s0 =	simm.s32 @!p0 $0x1  }
0x8c: {  	_ =	swait.ge @!p0 [sflag:s0], s1  }
0x8d: {  	s1 =	ssub.s32 @!p0 $0x0, s1;
	[sflag:s0] =	ssyncset.done @!p0 $0x0  }
0x8e: {  	[sflag:s0] =	ssyncadd.s32 @!p0 s1  }
0x8f: {  	[bflag:$0x3] =	sbarrier.arrive $0xFFFF  }
0x90: {  	_ =	shalt  }

</sc_bundles>
